<compile_context>
chip_gen: v7x
topology: tpu7x:2x2x1
jax: 0.10.2.dev20260603
libtpu: 0.0.44.dev20260713+nightly
codegen_flags: <defaults>
</compile_context>

<pallas_src>
import functools

import jax
import jax.numpy as jnp
from jax import lax
from jax.experimental import pallas as pl
from jax.experimental.pallas import tpu as pltpu
from jax.experimental.pallas import tpu_sc as plsc

N_GRAPH = 64
NW = 32
CHUNK = 3136
VECS = CHUNK // 16


def _sc_bincount_body(idx_hbm, out_hbm, chunk_ref, hist_ref, sem):
    wid = lax.axis_index("c") * 16 + lax.axis_index("s")
    base = wid * CHUNK
    pltpu.sync_copy(idx_hbm.at[pl.ds(base, CHUNK)], chunk_ref)

    lanes = jax.lax.iota(jnp.int32, 16)
    lo = chunk_ref[pl.ds(0, 16)][0]
    hi = chunk_ref[pl.ds(CHUNK - 16, 16)][15]

    def count_less(t):
        def step(_, lo_hi):
            lo_b, hi_b = lo_hi
            active = lo_b < hi_b
            mid = jnp.minimum((lo_b + hi_b) // 2, jnp.int32(VECS - 1))
            v0 = chunk_ref[pl.ds(mid * 16, 16)][0]
            big = v0 >= t
            return (jnp.where(active & ~big, mid + 1, lo_b),
                    jnp.where(active & big, mid, hi_b))
        b, _ = lax.fori_loop(0, 8, step, (jnp.int32(0), jnp.int32(VECS)))
        vb = chunk_ref[pl.ds(jnp.maximum(b - 1, 0) * 16, 16)]
        inblk = jnp.int32(0)
        for k in range(16):
            inblk = inblk + jnp.where(vb[k] < t, jnp.int32(1), jnp.int32(0))
        return jnp.where(b == 0, jnp.int32(0), (b - 1) * 16 + inblk)

    def per_bin(g, carry):
        p_prev, hs = carry
        p_next = count_less(g + 1)
        cnt = jnp.full((16,), p_next - p_prev, jnp.int32)
        gv = jnp.full((16,), g, jnp.int32)
        hs = tuple(
            jnp.where(lanes + (16 * k) == gv, hs[k] + cnt, hs[k])
            for k in range(4))
        return (p_next, hs)

    _, h = lax.fori_loop(
        lo, hi + 1, per_bin,
        (count_less(lo),
         tuple(jnp.zeros((16,), jnp.int32) for _ in range(4))))
    for k in range(4):
        hist_ref[pl.ds(16 * k, 16)] = h[k]
    pltpu.sync_copy(hist_ref, out_hbm.at[wid])


def _sc_bincount(idx_padded):
    mesh = plsc.VectorSubcoreMesh(core_axis_name="c", subcore_axis_name="s")
    kern = functools.partial(
        pl.kernel,
        mesh=mesh,
        out_type=jax.ShapeDtypeStruct((NW, N_GRAPH), jnp.int32),
        scratch_types=[
            pltpu.VMEM((CHUNK,), jnp.int32),
            pltpu.VMEM((N_GRAPH,), jnp.int32),
            pltpu.SemaphoreType.DMA,
        ],
    )(_sc_bincount_body)
    return kern(idx_padded)


def _tc_body(x_ref, idx_ref, pW1_ref, pb1_ref, pW2_ref, pb2_ref,
             spin_ref, emb0_ref, acc_ref):
    i = pl.program_id(0)
    nb = pl.num_programs(0)

    xb = x_ref[...]
    idx = idx_ref[0, 0, :]

    h = jnp.dot(xb, pW1_ref[...], preferred_element_type=jnp.float32)
    h = jnp.maximum(h + pb1_ref[...], 0.0)
    s = jnp.dot(h, pW2_ref[...], preferred_element_type=jnp.float32)
    spin_ref[...] = jnp.maximum(s + pb2_ref[...], 0.0)

    @pl.when(i == 0)
    def _init():
        acc_ref[...] = jnp.zeros_like(acc_ref)

    @pl.when(idx[0] == 0)
    def _emb0():
        m = (idx == 0).astype(jnp.float32)[:, None]
        acc_ref[...] += jnp.sum(xb * m, axis=0, keepdims=True)

    @pl.when(i == nb - 1)
    def _out():
        emb0_ref[...] = acc_ref[...]


def _value_head_body(cnt_ref, emb0_ref, vW1_ref, vb1_ref, vW2_ref, vb2_ref,
                     vW3_ref, vb3_ref, values_ref):
    n = jnp.sum(cnt_ref[...].astype(jnp.float32), axis=0)
    scale = jnp.sqrt(n).reshape(N_GRAPH, 1)
    z = emb0_ref[...] / scale
    h1 = jnp.dot(z, vW1_ref[...], preferred_element_type=jnp.float32)
    h1 = jnp.maximum(h1 + vb1_ref[...], 0.0)
    h2 = jnp.dot(h1, vW2_ref[...], preferred_element_type=jnp.float32)
    h2 = jnp.maximum(h2 + vb2_ref[...], 0.0)
    h3 = jnp.dot(h2, vW3_ref[...], preferred_element_type=jnp.float32)
    values_ref[...] = jnp.maximum(h3 + vb3_ref[...], 0.0)


@jax.jit
def _run(x, idx, pW1, pb1, pW2, pb2, vW1, vb1, vW2, vb2, vW3, vb3):
    n_nodes, d_feat = x.shape
    block = 10000
    if n_nodes % block != 0:
        block = 8
        while n_nodes % (block * 2) == 0 and block < 4096:
            block *= 2
    nb = n_nodes // block

    idx_padded = jnp.concatenate(
        [idx, jnp.full((NW * CHUNK - n_nodes,), N_GRAPH, jnp.int32)])
    partial_counts = _sc_bincount(idx_padded)

    idx3 = idx.reshape(nb, 1, block)
    spin, emb0 = pl.pallas_call(
        _tc_body,
        grid=(nb,),
        in_specs=[
            pl.BlockSpec((block, d_feat), lambda i: (i, 0)),
            pl.BlockSpec((1, 1, block), lambda i: (i, 0, 0)),
            pl.BlockSpec(pW1.shape, lambda i: (0, 0)),
            pl.BlockSpec((1, pb1.shape[0]), lambda i: (0, 0)),
            pl.BlockSpec(pW2.shape, lambda i: (0, 0)),
            pl.BlockSpec((1, pb2.shape[0]), lambda i: (0, 0)),
        ],
        out_specs=[
            pl.BlockSpec((block, 2), lambda i: (i, 0)),
            pl.BlockSpec((1, d_feat), lambda i: (0, 0)),
        ],
        out_shape=[
            jax.ShapeDtypeStruct((n_nodes, 2), jnp.float32),
            jax.ShapeDtypeStruct((1, d_feat), jnp.float32),
        ],
        scratch_shapes=[pltpu.VMEM((1, d_feat), jnp.float32)],
    )(x, idx3, pW1, pb1.reshape(1, -1), pW2, pb2.reshape(1, -1))

    values = pl.pallas_call(
        _value_head_body,
        out_shape=jax.ShapeDtypeStruct((N_GRAPH, 1), jnp.float32),
    )(partial_counts, emb0, vW1, vb1.reshape(1, -1),
      vW2, vb2.reshape(1, -1), vW3, vb3.reshape(1, -1))
    return spin, values[:, 0]


def kernel(x, node_graph_idx, pW1, pb1, pW2, pb2, vW1, vb1, vW2, vb2, vW3, vb3):
    idx = node_graph_idx.astype(jnp.int32)
    return _run(x, idx, pW1, pb1, pW2, pb2, vW1, vb1, vW2, vb2, vW3, vb3)

# --- scband reference (transcript-rebuilt; emitter-appended) ---
"""Pipeline reference for scband-rlhead-module-agg-before-38886633898638 (READ-ONLY COPY).

The authoritative reference and input builder live on the scoring server;
editing this copy changes nothing except your own understanding.
"""

import jax, jax.numpy as jnp
import numpy as np

N_NODES = 100000
D_FEAT = 128
N_GRAPH = 64
PROB_FEATURES = [32, 2]
VALUE_FEATURES = [120, 64, 1]


def _glorot(k, shape):
    fan_in, fan_out = shape
    lim = np.sqrt(6.0 / (fan_in + fan_out))
    return jax.random.uniform(k, shape, jnp.float32, -lim, lim)


def setup_inputs(seed: int = 0) -> dict:
    key = jax.random.key(seed)
    ks = jax.random.split(key, 8)
    x = jax.random.normal(ks[0], (N_NODES, D_FEAT), dtype=jnp.float32)
    node_graph_idx = jnp.sort(jax.random.randint(ks[1], (N_NODES,), 0, N_GRAPH)).astype(jnp.int64)
    pW1 = _glorot(ks[2], (D_FEAT, PROB_FEATURES[0]))
    pb1 = jnp.zeros((PROB_FEATURES[0],), jnp.float32)
    pW2 = _glorot(ks[3], (PROB_FEATURES[0], PROB_FEATURES[1]))
    pb2 = jnp.zeros((PROB_FEATURES[1],), jnp.float32)
    vW1 = _glorot(ks[4], (D_FEAT, VALUE_FEATURES[0]))
    vb1 = jnp.zeros((VALUE_FEATURES[0],), jnp.float32)
    vW2 = _glorot(ks[5], (VALUE_FEATURES[0], VALUE_FEATURES[1]))
    vb2 = jnp.zeros((VALUE_FEATURES[1],), jnp.float32)
    vW3 = _glorot(ks[6], (VALUE_FEATURES[1], VALUE_FEATURES[2]))
    vb3 = jnp.zeros((VALUE_FEATURES[2],), jnp.float32)
    return {"x": x, "node_graph_idx": node_graph_idx,
            "pW1": pW1, "pb1": pb1, "pW2": pW2, "pb2": pb2,
            "vW1": vW1, "vb1": vb1, "vW2": vW2, "vb2": vb2, "vW3": vW3, "vb3": vb3}


def _prob_mlp(x, pW1, pb1, pW2, pb2):
    h = jax.nn.relu(x @ pW1 + pb1)
    return jax.nn.relu(h @ pW2 + pb2)


def _value_mlp(z, vW1, vb1, vW2, vb2, vW3, vb3):
    h = jax.nn.relu(z @ vW1 + vb1)
    h = jax.nn.relu(h @ vW2 + vb2)
    return jax.nn.relu(h @ vW3 + vb3)


def reference(x, node_graph_idx, pW1, pb1, pW2, pb2, vW1, vb1, vW2, vb2, vW3, vb3):
    # ProbMLP over every node
    spin_logits = _prob_mlp(x, pW1, pb1, pW2, pb2)
    # get_graph_info: n_node recovered from node_graph_idx (inverse of jnp.repeat)
    n_node = jnp.bincount(node_graph_idx, length=N_GRAPH)
    # global_graph_aggr: segment_sum of node features into per-graph embeddings
    value_embeddings = jax.ops.segment_sum(x, node_graph_idx, N_GRAPH)
    # faithful broadcast from original code: [n_graph, d] / [n_graph, 1, 1] -> [n_graph, n_graph, d]
    value_embeddings = value_embeddings / jnp.sqrt(n_node[..., None, None].astype(jnp.float32))
    values = _value_mlp(value_embeddings, vW1, vb1, vW2, vb2, vW3, vb3)[..., 0, 0]
    return (spin_logits, values)

if __name__ == "__main__":
    import jax
    _d = setup_inputs()
    print(jax.jit(kernel)(*tuple(_d.values())))

</pallas_src>

<mosaic_0001>
#map = affine_map<(d0, d1) -> (0)>
#map1 = affine_map<(d0, d1) -> (0, 0)>
module attributes {stable_mosaic.version = 14 : i64} {
  func.func @_sc_bincount_body(%arg0: i32, %arg1: i32, %arg2: memref<100352xi32, #tpu.memory_space<hbm>>, %arg3: memref<32x64xi32, #tpu.memory_space<hbm>>, %arg4: memref<3136xi32, #tpu.memory_space<vmem>>, %arg5: memref<64xi32, #tpu.memory_space<vmem>>, %arg6: memref<!tpu.dma_semaphore, #tpu.memory_space<semaphore_mem>>) attributes {dimension_semantics = [#tpu.dimension_semantics<core_parallel>, #tpu.dimension_semantics<subcore_parallel>], iteration_bounds = array<i64: 2, 16>, scalar_prefetch = 0 : i64, scratch_operands = 3 : i64, tpu.core_type = #tpu.core_type<sc_vector_subcore>, window_params = [{transform_indices = #map}, {transform_indices = #map1}]} {
    %mul3A = arith.constant 16 : i32
    %mul3A_0 = arith.muli %arg0, %mul3A : i32
    %add3A = arith.addi %mul3A_0, %arg1 : i32
    %mul3A_1 = arith.constant 3136 : i32
    %mul3A_2 = arith.muli %add3A, %mul3A_1 : i32
    "tpu.region"() ({
      %run_scoped3A = tpu.sem_alloc : memref<!tpu.dma_semaphore, #tpu.memory_space<semaphore_mem>>
      %dma_start3A = tpu.memref_slice %arg2[%mul3A_2] : memref<100352xi32, #tpu.memory_space<hbm>> -> memref<3136xi32, #tpu.memory_space<hbm>>
      %dma_start3A_175 = tpu.memref_slice %arg2[%mul3A_2] : memref<100352xi32, #tpu.memory_space<hbm>> -> memref<3136xi32, #tpu.memory_space<hbm>>
      tpu.enqueue_dma source(%dma_start3A_175 : memref<3136xi32, #tpu.memory_space<hbm>>) target(%arg4 : memref<3136xi32, #tpu.memory_space<vmem>>) target_semaphore(%run_scoped3A : memref<!tpu.dma_semaphore, #tpu.memory_space<semaphore_mem>>)
      %dma_wait3A = tpu.memref_slice %arg2[%mul3A_2] : memref<100352xi32, #tpu.memory_space<hbm>> -> memref<3136xi32, #tpu.memory_space<hbm>>
      %dma_wait3A_176 = tpu.memref_slice %arg2[%mul3A_2] : memref<100352xi32, #tpu.memory_space<hbm>> -> memref<3136xi32, #tpu.memory_space<hbm>>
      tpu.wait_dma2 semaphore(%run_scoped3A : memref<!tpu.dma_semaphore, #tpu.memory_space<semaphore_mem>>) src(%dma_wait3A_176 : memref<3136xi32, #tpu.memory_space<hbm>>) dst(%arg4 : memref<3136xi32, #tpu.memory_space<vmem>>)
      tpu.yield
    }) : () -> ()
    %iota3A = tpu.iota {dimensions = array<i32: 0>} : vector<16xi32>
    %get3A = arith.constant 0 : index
    %get3A_3 = tpu.vector_load %arg4[%get3A] {strides = array<i32>} : memref<3136xi32, #tpu.memory_space<vmem>>, vector<16xi32>,
    %get3A_4 = vector.shape_cast %get3A_3 : vector<16xi32> to vector<16xi32>
    %slice3A = vector.extract_strided_slice %get3A_4 {offsets = [0], sizes = [1], strides = [1]} : vector<16xi32> to vector<1xi32>
    %squeeze3A = vector.extract %slice3A[0] : i32 from vector<1xi32>
    %get3A_5 = arith.constant 3120 : index
    %get3A_6 = tpu.vector_load %arg4[%get3A_5] {strides = array<i32>} : memref<3136xi32, #tpu.memory_space<vmem>>, vector<16xi32>,
    %get3A_7 = vector.shape_cast %get3A_6 : vector<16xi32> to vector<16xi32>
    %slice3A_8 = vector.extract_strided_slice %get3A_7 {offsets = [15], sizes = [1], strides = [1]} : vector<16xi32> to vector<1xi32>
    %squeeze3A_9 = vector.extract %slice3A_8[0] : i32 from vector<1xi32>
    %add3A_10 = arith.constant 1 : i32
    %add3A_11 = arith.addi %squeeze3A_9, %add3A_10 : i32
    %scan3A = arith.constant 0 : i32
    %scan3A_12 = arith.constant 196 : i32
    %scan3A_13 = arith.constant 0 : i32
    %scan3A_14 = arith.constant 8 : i32
    %scan3A_15 = arith.addi %scan3A_13, %scan3A_14 : i32
    %scan3A_16 = arith.constant 1 : i32
    %scan3A_17:2 = scf.for %scan3A_175 = %scan3A_13 to %scan3A_15 step %scan3A_16 iter_args(%scan3A_176 = %scan3A, %scan3A_177 = %scan3A_12) -> (i32, i32)  : i32 {
      %lt3A_178 = arith.cmpi slt, %scan3A_176, %scan3A_177 : i32
      %add3A_179 = arith.addi %scan3A_176, %scan3A_177 : i32
      %jit3A_180 = arith.constant 2 : i32
      %div3A = arith.divsi %add3A_179, %jit3A_180 : i32
      %sign3A = arith.constant 0 : i32
      %sign3A_181 = arith.cmpi sgt, %add3A_179, %sign3A : i32
      %sign3A_182 = arith.extui %sign3A_181 : i1 to i32
      %sign3A_183 = arith.constant 0 : i32
      %sign3A_184 = arith.cmpi slt, %add3A_179, %sign3A_183 : i32
      %sign3A_185 = arith.extui %sign3A_184 : i1 to i32
      %sign3A_186 = arith.subi %sign3A_182, %sign3A_185 : i32
      %sign3A_187 = arith.constant 0 : i32
      %sign3A_188 = arith.cmpi sgt, %jit3A_180, %sign3A_187 : i32
      %sign3A_189 = arith.extui %sign3A_188 : i1 to i32
      %sign3A_190 = arith.constant 0 : i32
      %sign3A_191 = arith.cmpi slt, %jit3A_180, %sign3A_190 : i32
      %sign3A_192 = arith.extui %sign3A_191 : i1 to i32
      %sign3A_193 = arith.subi %sign3A_189, %sign3A_192 : i32
      %ne3A = arith.cmpi ne, %sign3A_186, %sign3A_193 : i32
      %rem3A = arith.remsi %add3A_179, %jit3A_180 : i32
      %ne3A_194 = arith.constant 0 : i32
      %ne3A_195 = arith.cmpi ne, %rem3A, %ne3A_194 : i32
      %and3A = arith.andi %ne3A, %ne3A_195 : i1
      %sub3A_196 = arith.constant 1 : i32
      %sub3A_197 = arith.subi %div3A, %sub3A_196 : i32
      %select_n3A_198 = arith.select %and3A, %sub3A_197, %div3A : i32
      %min3A = arith.constant 195 : i32
      %min3A_199 = arith.minsi %select_n3A_198, %min3A : i32
      %mul3A_200 = arith.constant 16 : i32
      %mul3A_201 = arith.muli %min3A_199, %mul3A_200 : i32
      %get3A_202 = arith.index_cast %mul3A_201 : i32 to index
      %get3A_203 = tpu.vector_load %arg4[%get3A_202] {strides = array<i32>} : memref<3136xi32, #tpu.memory_space<vmem>>, vector<16xi32>,
      %get3A_204 = vector.shape_cast %get3A_203 : vector<16xi32> to vector<16xi32>
      %slice3A_205 = vector.extract_strided_slice %get3A_204 {offsets = [0], sizes = [1], strides = [1]} : vector<16xi32> to vector<1xi32>
      %squeeze3A_206 = vector.extract %slice3A_205[0] : i32 from vector<1xi32>
      %ge3A = arith.cmpi sge, %squeeze3A_206, %squeeze3A : i32
      %not3A = arith.constant true
      %not3A_207 = arith.xori %ge3A, %not3A : i1
      %and3A_208 = arith.andi %lt3A_178, %not3A_207 : i1
      %add3A_209 = arith.constant 1 : i32
      %add3A_210 = arith.addi %min3A_199, %add3A_209 : i32
      %select_n3A_211 = arith.select %and3A_208, %add3A_210, %scan3A_176 : i32
      %and3A_212 = arith.andi %lt3A_178, %ge3A : i1
      %select_n3A_213 = arith.select %and3A_212, %min3A_199, %scan3A_177 : i32
      scf.yield %select_n3A_211, %select_n3A_213 : i32, i32
    }
    %scan3A_18 = arith.constant 8 : i32
    %sub3A = arith.constant 1 : i32
    %sub3A_19 = arith.subi %scan3A_17#0, %sub3A : i32
    %max3A = arith.constant 0 : i32
    %max3A_20 = arith.maxsi %sub3A_19, %max3A : i32
    %mul3A_21 = arith.constant 16 : i32
    %mul3A_22 = arith.muli %max3A_20, %mul3A_21 : i32
    %get3A_23 = arith.index_cast %mul3A_22 : i32 to index
    %get3A_24 = tpu.vector_load %arg4[%get3A_23] {strides = array<i32>} : memref<3136xi32, #tpu.memory_space<vmem>>, vector<16xi32>,
    %get3A_25 = vector.shape_cast %get3A_24 : vector<16xi32> to vector<16xi32>
    %slice3A_26 = vector.extract_strided_slice %get3A_25 {offsets = [0], sizes = [1], strides = [1]} : vector<16xi32> to vector<1xi32>
    %squeeze3A_27 = vector.extract %slice3A_26[0] : i32 from vector<1xi32>
    %lt3A = arith.cmpi slt, %squeeze3A_27, %squeeze3A : i32
    %jit3A = arith.constant 1 : i32
    %jit3A_28 = arith.constant 0 : i32
    %select_n3A = arith.select %lt3A, %jit3A, %jit3A_28 : i32
    %add3A_29 = arith.constant 0 : i32
    %add3A_30 = arith.addi %add3A_29, %select_n3A : i32
    %slice3A_31 = vector.extract_strided_slice %get3A_25 {offsets = [1], sizes = [1], strides = [1]} : vector<16xi32> to vector<1xi32>
    %squeeze3A_32 = vector.extract %slice3A_31[0] : i32 from vector<1xi32>
    %lt3A_33 = arith.cmpi slt, %squeeze3A_32, %squeeze3A : i32
    %jit3A_34 = arith.constant 1 : i32
    %jit3A_35 = arith.constant 0 : i32
    %select_n3A_36 = arith.select %lt3A_33, %jit3A_34, %jit3A_35 : i32
    %add3A_37 = arith.addi %add3A_30, %select_n3A_36 : i32
    %slice3A_38 = vector.extract_strided_slice %get3A_25 {offsets = [2], sizes = [1], strides = [1]} : vector<16xi32> to vector<1xi32>
    %squeeze3A_39 = vector.extract %slice3A_38[0] : i32 from vector<1xi32>
    %lt3A_40 = arith.cmpi slt, %squeeze3A_39, %squeeze3A : i32
    %jit3A_41 = arith.constant 1 : i32
    %jit3A_42 = arith.constant 0 : i32
    %select_n3A_43 = arith.select %lt3A_40, %jit3A_41, %jit3A_42 : i32
    %add3A_44 = arith.addi %add3A_37, %select_n3A_43 : i32
    %slice3A_45 = vector.extract_strided_slice %get3A_25 {offsets = [3], sizes = [1], strides = [1]} : vector<16xi32> to vector<1xi32>
    %squeeze3A_46 = vector.extract %slice3A_45[0] : i32 from vector<1xi32>
    %lt3A_47 = arith.cmpi slt, %squeeze3A_46, %squeeze3A : i32
    %jit3A_48 = arith.constant 1 : i32
    %jit3A_49 = arith.constant 0 : i32
    %select_n3A_50 = arith.select %lt3A_47, %jit3A_48, %jit3A_49 : i32
    %add3A_51 = arith.addi %add3A_44, %select_n3A_50 : i32
    %slice3A_52 = vector.extract_strided_slice %get3A_25 {offsets = [4], sizes = [1], strides = [1]} : vector<16xi32> to vector<1xi32>
    %squeeze3A_53 = vector.extract %slice3A_52[0] : i32 from vector<1xi32>
    %lt3A_54 = arith.cmpi slt, %squeeze3A_53, %squeeze3A : i32
    %jit3A_55 = arith.constant 1 : i32
    %jit3A_56 = arith.constant 0 : i32
    %select_n3A_57 = arith.select %lt3A_54, %jit3A_55, %jit3A_56 : i32
    %add3A_58 = arith.addi %add3A_51, %select_n3A_57 : i32
    %slice3A_59 = vector.extract_strided_slice %get3A_25 {offsets = [5], sizes = [1], strides = [1]} : vector<16xi32> to vector<1xi32>
    %squeeze3A_60 = vector.extract %slice3A_59[0] : i32 from vector<1xi32>
    %lt3A_61 = arith.cmpi slt, %squeeze3A_60, %squeeze3A : i32
    %jit3A_62 = arith.constant 1 : i32
    %jit3A_63 = arith.constant 0 : i32
    %select_n3A_64 = arith.select %lt3A_61, %jit3A_62, %jit3A_63 : i32
    %add3A_65 = arith.addi %add3A_58, %select_n3A_64 : i32
    %slice3A_66 = vector.extract_strided_slice %get3A_25 {offsets = [6], sizes = [1], strides = [1]} : vector<16xi32> to vector<1xi32>
    %squeeze3A_67 = vector.extract %slice3A_66[0] : i32 from vector<1xi32>
    %lt3A_68 = arith.cmpi slt, %squeeze3A_67, %squeeze3A : i32
    %jit3A_69 = arith.constant 1 : i32
    %jit3A_70 = arith.constant 0 : i32
    %select_n3A_71 = arith.select %lt3A_68, %jit3A_69, %jit3A_70 : i32
    %add3A_72 = arith.addi %add3A_65, %select_n3A_71 : i32
    %slice3A_73 = vector.extract_strided_slice %get3A_25 {offsets = [7], sizes = [1], strides = [1]} : vector<16xi32> to vector<1xi32>
    %squeeze3A_74 = vector.extract %slice3A_73[0] : i32 from vector<1xi32>
    %lt3A_75 = arith.cmpi slt, %squeeze3A_74, %squeeze3A : i32
    %jit3A_76 = arith.constant 1 : i32
    %jit3A_77 = arith.constant 0 : i32
    %select_n3A_78 = arith.select %lt3A_75, %jit3A_76, %jit3A_77 : i32
    %add3A_79 = arith.addi %add3A_72, %select_n3A_78 : i32
    %slice3A_80 = vector.extract_strided_slice %get3A_25 {offsets = [8], sizes = [1], strides = [1]} : vector<16xi32> to vector<1xi32>
    %squeeze3A_81 = vector.extract %slice3A_80[0] : i32 from vector<1xi32>
    %lt3A_82 = arith.cmpi slt, %squeeze3A_81, %squeeze3A : i32
    %jit3A_83 = arith.constant 1 : i32
    %jit3A_84 = arith.constant 0 : i32
    %select_n3A_85 = arith.select %lt3A_82, %jit3A_83, %jit3A_84 : i32
    %add3A_86 = arith.addi %add3A_79, %select_n3A_85 : i32
    %slice3A_87 = vector.extract_strided_slice %get3A_25 {offsets = [9], sizes = [1], strides = [1]} : vector<16xi32> to vector<1xi32>
    %squeeze3A_88 = vector.extract %slice3A_87[0] : i32 from vector<1xi32>
    %lt3A_89 = arith.cmpi slt, %squeeze3A_88, %squeeze3A : i32
    %jit3A_90 = arith.constant 1 : i32
    %jit3A_91 = arith.constant 0 : i32
    %select_n3A_92 = arith.select %lt3A_89, %jit3A_90, %jit3A_91 : i32
    %add3A_93 = arith.addi %add3A_86, %select_n3A_92 : i32
    %slice3A_94 = vector.extract_strided_slice %get3A_25 {offsets = [10], sizes = [1], strides = [1]} : vector<16xi32> to vector<1xi32>
    %squeeze3A_95 = vector.extract %slice3A_94[0] : i32 from vector<1xi32>
    %lt3A_96 = arith.cmpi slt, %squeeze3A_95, %squeeze3A : i32
    %jit3A_97 = arith.constant 1 : i32
    %jit3A_98 = arith.constant 0 : i32
    %select_n3A_99 = arith.select %lt3A_96, %jit3A_97, %jit3A_98 : i32
    %add3A_100 = arith.addi %add3A_93, %select_n3A_99 : i32
    %slice3A_101 = vector.extract_strided_slice %get3A_25 {offsets = [11], sizes = [1], strides = [1]} : vector<16xi32> to vector<1xi32>
    %squeeze3A_102 = vector.extract %slice3A_101[0] : i32 from vector<1xi32>
    %lt3A_103 = arith.cmpi slt, %squeeze3A_102, %squeeze3A : i32
    %jit3A_104 = arith.constant 1 : i32
    %jit3A_105 = arith.constant 0 : i32
    %select_n3A_106 = arith.select %lt3A_103, %jit3A_104, %jit3A_105 : i32
    %add3A_107 = arith.addi %add3A_100, %select_n3A_106 : i32
    %slice3A_108 = vector.extract_strided_slice %get3A_25 {offsets = [12], sizes = [1], strides = [1]} : vector<16xi32> to vector<1xi32>
    %squeeze3A_109 = vector.extract %slice3A_108[0] : i32 from vector<1xi32>
    %lt3A_110 = arith.cmpi slt, %squeeze3A_109, %squeeze3A : i32
    %jit3A_111 = arith.constant 1 : i32
    %jit3A_112 = arith.constant 0 : i32
    %select_n3A_113 = arith.select %lt3A_110, %jit3A_111, %jit3A_112 : i32
    %add3A_114 = arith.addi %add3A_107, %select_n3A_113 : i32
    %slice3A_115 = vector.extract_strided_slice %get3A_25 {offsets = [13], sizes = [1], strides = [1]} : vector<16xi32> to vector<1xi32>
    %squeeze3A_116 = vector.extract %slice3A_115[0] : i32 from vector<1xi32>
    %lt3A_117 = arith.cmpi slt, %squeeze3A_116, %squeeze3A : i32
    %jit3A_118 = arith.constant 1 : i32
    %jit3A_119 = arith.constant 0 : i32
    %select_n3A_120 = arith.select %lt3A_117, %jit3A_118, %jit3A_119 : i32
    %add3A_121 = arith.addi %add3A_114, %select_n3A_120 : i32
    %slice3A_122 = vector.extract_strided_slice %get3A_25 {offsets = [14], sizes = [1], strides = [1]} : vector<16xi32> to vector<1xi32>
    %squeeze3A_123 = vector.extract %slice3A_122[0] : i32 from vector<1xi32>
    %lt3A_124 = arith.cmpi slt, %squeeze3A_123, %squeeze3A : i32
    %jit3A_125 = arith.constant 1 : i32
    %jit3A_126 = arith.constant 0 : i32
    %select_n3A_127 = arith.select %lt3A_124, %jit3A_125, %jit3A_126 : i32
    %add3A_128 = arith.addi %add3A_121, %select_n3A_127 : i32
    %slice3A_129 = vector.extract_strided_slice %get3A_25 {offsets = [15], sizes = [1], strides = [1]} : vector<16xi32> to vector<1xi32>
    %squeeze3A_130 = vector.extract %slice3A_129[0] : i32 from vector<1xi32>
    %lt3A_131 = arith.cmpi slt, %squeeze3A_130, %squeeze3A : i32
    %jit3A_132 = arith.constant 1 : i32
    %jit3A_133 = arith.constant 0 : i32
    %select_n3A_134 = arith.select %lt3A_131, %jit3A_132, %jit3A_133 : i32
    %add3A_135 = arith.addi %add3A_128, %select_n3A_134 : i32
    %eq3A = arith.constant 0 : i32
    %eq3A_136 = arith.cmpi eq, %scan3A_17#0, %eq3A : i32
    %sub3A_137 = arith.constant 1 : i32
    %sub3A_138 = arith.subi %scan3A_17#0, %sub3A_137 : i32
    %mul3A_139 = arith.constant 16 : i32
    %mul3A_140 = arith.muli %sub3A_138, %mul3A_139 : i32
    %add3A_141 = arith.addi %mul3A_140, %add3A_135 : i32
    %jit3A_142 = arith.constant 0 : i32
    %select_n3A_143 = arith.select %eq3A_136, %jit3A_142, %add3A_141 : i32
    %broadcast_in_dim3A = arith.constant 0 : i32
    %broadcast_in_dim3A_144 = vector.broadcast %broadcast_in_dim3A : i32 to vector<16xi32>
    %broadcast_in_dim3A_145 = arith.constant 0 : i32
    %broadcast_in_dim3A_146 = vector.broadcast %broadcast_in_dim3A_145 : i32 to vector<16xi32>
    %broadcast_in_dim3A_147 = arith.constant 0 : i32
    %broadcast_in_dim3A_148 = vector.broadcast %broadcast_in_dim3A_147 : i32 to vector<16xi32>
    %broadcast_in_dim3A_149 = arith.constant 0 : i32
    %broadcast_in_dim3A_150 = vector.broadcast %broadcast_in_dim3A_149 : i32 to vector<16xi32>
    %while3A = arith.subi %add3A_11, %squeeze3A : i32
    %while3A_151 = arith.addi %squeeze3A, %while3A : i32
    %while3A_152 = arith.constant 1 : i32
    %while3A_153 = arith.divsi %while3A, %while3A_152 : i32
    %while3A_154 = arith.muli %while3A_153, %while3A_152 : i32
    %while3A_155 = arith.addi %squeeze3A, %while3A_154 : i32
    %while3A_156 = arith.constant 1 : i32
    %while3A_157:5 = scf.for %while3A_175 = %squeeze3A to %while3A_155 step %while3A_156 iter_args(%while3A_176 = %select_n3A_143, %while3A_177 = %broadcast_in_dim3A_144, %while3A_178 = %broadcast_in_dim3A_146, %while3A_179 = %broadcast_in_dim3A_148, %while3A_180 = %broadcast_in_dim3A_150) -> (i32, vector<16xi32>, vector<16xi32>, vector<16xi32>, vector<16xi32>)  : i32 {
      %add3A_181 = arith.constant 1 : i32
      %add3A_182 = arith.addi %while3A_175, %add3A_181 : i32
      %scan3A_183 = arith.constant 0 : i32
      %scan3A_184 = arith.constant 196 : i32
      %scan3A_185 = arith.constant 0 : i32
      %scan3A_186 = arith.constant 8 : i32
      %scan3A_187 = arith.addi %scan3A_185, %scan3A_186 : i32
      %scan3A_188 = arith.constant 1 : i32
      %scan3A_189:2 = scf.for %scan3A_349 = %scan3A_185 to %scan3A_187 step %scan3A_188 iter_args(%scan3A_350 = %scan3A_183, %scan3A_351 = %scan3A_184) -> (i32, i32)  : i32 {
        %lt3A_352 = arith.cmpi slt, %scan3A_350, %scan3A_351 : i32
        %add3A_353 = arith.addi %scan3A_350, %scan3A_351 : i32
        %jit3A_354 = arith.constant 2 : i32
        %div3A = arith.divsi %add3A_353, %jit3A_354 : i32
        %sign3A = arith.constant 0 : i32
        %sign3A_355 = arith.cmpi sgt, %add3A_353, %sign3A : i32
        %sign3A_356 = arith.extui %sign3A_355 : i1 to i32
        %sign3A_357 = arith.constant 0 : i32
        %sign3A_358 = arith.cmpi slt, %add3A_353, %sign3A_357 : i32
        %sign3A_359 = arith.extui %sign3A_358 : i1 to i32
        %sign3A_360 = arith.subi %sign3A_356, %sign3A_359 : i32
        %sign3A_361 = arith.constant 0 : i32
        %sign3A_362 = arith.cmpi sgt, %jit3A_354, %sign3A_361 : i32
        %sign3A_363 = arith.extui %sign3A_362 : i1 to i32
        %sign3A_364 = arith.constant 0 : i32
        %sign3A_365 = arith.cmpi slt, %jit3A_354, %sign3A_364 : i32
        %sign3A_366 = arith.extui %sign3A_365 : i1 to i32
        %sign3A_367 = arith.subi %sign3A_363, %sign3A_366 : i32
        %ne3A = arith.cmpi ne, %sign3A_360, %sign3A_367 : i32
        %rem3A = arith.remsi %add3A_353, %jit3A_354 : i32
        %ne3A_368 = arith.constant 0 : i32
        %ne3A_369 = arith.cmpi ne, %rem3A, %ne3A_368 : i32
        %and3A = arith.andi %ne3A, %ne3A_369 : i1
        %sub3A_370 = arith.constant 1 : i32
        %sub3A_371 = arith.subi %div3A, %sub3A_370 : i32
        %select_n3A_372 = arith.select %and3A, %sub3A_371, %div3A : i32
        %min3A = arith.constant 195 : i32
        %min3A_373 = arith.minsi %select_n3A_372, %min3A : i32
        %mul3A_374 = arith.constant 16 : i32
        %mul3A_375 = arith.muli %min3A_373, %mul3A_374 : i32
        %get3A_376 = arith.index_cast %mul3A_375 : i32 to index
        %get3A_377 = tpu.vector_load %arg4[%get3A_376] {strides = array<i32>} : memref<3136xi32, #tpu.memory_space<vmem>>, vector<16xi32>,
        %get3A_378 = vector.shape_cast %get3A_377 : vector<16xi32> to vector<16xi32>
        %slice3A_379 = vector.extract_strided_slice %get3A_378 {offsets = [0], sizes = [1], strides = [1]} : vector<16xi32> to vector<1xi32>
        %squeeze3A_380 = vector.extract %slice3A_379[0] : i32 from vector<1xi32>
        %ge3A = arith.cmpi sge, %squeeze3A_380, %add3A_182 : i32
        %not3A = arith.constant true
        %not3A_381 = arith.xori %ge3A, %not3A : i1
        %and3A_382 = arith.andi %lt3A_352, %not3A_381 : i1
        %add3A_383 = arith.constant 1 : i32
        %add3A_384 = arith.addi %min3A_373, %add3A_383 : i32
        %select_n3A_385 = arith.select %and3A_382, %add3A_384, %scan3A_350 : i32
        %and3A_386 = arith.andi %lt3A_352, %ge3A : i1
        %select_n3A_387 = arith.select %and3A_386, %min3A_373, %scan3A_351 : i32
        scf.yield %select_n3A_385, %select_n3A_387 : i32, i32
      }
      %scan3A_190 = arith.constant 8 : i32
      %sub3A_191 = arith.constant 1 : i32
      %sub3A_192 = arith.subi %scan3A_189#0, %sub3A_191 : i32
      %max3A_193 = arith.constant 0 : i32
      %max3A_194 = arith.maxsi %sub3A_192, %max3A_193 : i32
      %mul3A_195 = arith.constant 16 : i32
      %mul3A_196 = arith.muli %max3A_194, %mul3A_195 : i32
      %get3A_197 = arith.index_cast %mul3A_196 : i32 to index
      %get3A_198 = tpu.vector_load %arg4[%get3A_197] {strides = array<i32>} : memref<3136xi32, #tpu.memory_space<vmem>>, vector<16xi32>,
      %get3A_199 = vector.shape_cast %get3A_198 : vector<16xi32> to vector<16xi32>
      %slice3A_200 = vector.extract_strided_slice %get3A_199 {offsets = [0], sizes = [1], strides = [1]} : vector<16xi32> to vector<1xi32>
      %squeeze3A_201 = vector.extract %slice3A_200[0] : i32 from vector<1xi32>
      %lt3A_202 = arith.cmpi slt, %squeeze3A_201, %add3A_182 : i32
      %jit3A_203 = arith.constant 1 : i32
      %jit3A_204 = arith.constant 0 : i32
      %select_n3A_205 = arith.select %lt3A_202, %jit3A_203, %jit3A_204 : i32
      %add3A_206 = arith.constant 0 : i32
      %add3A_207 = arith.addi %add3A_206, %select_n3A_205 : i32
      %slice3A_208 = vector.extract_strided_slice %get3A_199 {offsets = [1], sizes = [1], strides = [1]} : vector<16xi32> to vector<1xi32>
      %squeeze3A_209 = vector.extract %slice3A_208[0] : i32 from vector<1xi32>
      %lt3A_210 = arith.cmpi slt, %squeeze3A_209, %add3A_182 : i32
      %jit3A_211 = arith.constant 1 : i32
      %jit3A_212 = arith.constant 0 : i32
      %select_n3A_213 = arith.select %lt3A_210, %jit3A_211, %jit3A_212 : i32
      %add3A_214 = arith.addi %add3A_207, %select_n3A_213 : i32
      %slice3A_215 = vector.extract_strided_slice %get3A_199 {offsets = [2], sizes = [1], strides = [1]} : vector<16xi32> to vector<1xi32>
      %squeeze3A_216 = vector.extract %slice3A_215[0] : i32 from vector<1xi32>
      %lt3A_217 = arith.cmpi slt, %squeeze3A_216, %add3A_182 : i32
      %jit3A_218 = arith.constant 1 : i32
      %jit3A_219 = arith.constant 0 : i32
      %select_n3A_220 = arith.select %lt3A_217, %jit3A_218, %jit3A_219 : i32
      %add3A_221 = arith.addi %add3A_214, %select_n3A_220 : i32
      %slice3A_222 = vector.extract_strided_slice %get3A_199 {offsets = [3], sizes = [1], strides = [1]} : vector<16xi32> to vector<1xi32>
      %squeeze3A_223 = vector.extract %slice3A_222[0] : i32 from vector<1xi32>
      %lt3A_224 = arith.cmpi slt, %squeeze3A_223, %add3A_182 : i32
      %jit3A_225 = arith.constant 1 : i32
      %jit3A_226 = arith.constant 0 : i32
      %select_n3A_227 = arith.select %lt3A_224, %jit3A_225, %jit3A_226 : i32
      %add3A_228 = arith.addi %add3A_221, %select_n3A_227 : i32
      %slice3A_229 = vector.extract_strided_slice %get3A_199 {offsets = [4], sizes = [1], strides = [1]} : vector<16xi32> to vector<1xi32>
      %squeeze3A_230 = vector.extract %slice3A_229[0] : i32 from vector<1xi32>
      %lt3A_231 = arith.cmpi slt, %squeeze3A_230, %add3A_182 : i32
      %jit3A_232 = arith.constant 1 : i32
      %jit3A_233 = arith.constant 0 : i32
      %select_n3A_234 = arith.select %lt3A_231, %jit3A_232, %jit3A_233 : i32
      %add3A_235 = arith.addi %add3A_228, %select_n3A_234 : i32
      %slice3A_236 = vector.extract_strided_slice %get3A_199 {offsets = [5], sizes = [1], strides = [1]} : vector<16xi32> to vector<1xi32>
      %squeeze3A_237 = vector.extract %slice3A_236[0] : i32 from vector<1xi32>
      %lt3A_238 = arith.cmpi slt, %squeeze3A_237, %add3A_182 : i32
      %jit3A_239 = arith.constant 1 : i32
      %jit3A_240 = arith.constant 0 : i32
      %select_n3A_241 = arith.select %lt3A_238, %jit3A_239, %jit3A_240 : i32
      %add3A_242 = arith.addi %add3A_235, %select_n3A_241 : i32
      %slice3A_243 = vector.extract_strided_slice %get3A_199 {offsets = [6], sizes = [1], strides = [1]} : vector<16xi32> to vector<1xi32>
      %squeeze3A_244 = vector.extract %slice3A_243[0] : i32 from vector<1xi32>
      %lt3A_245 = arith.cmpi slt, %squeeze3A_244, %add3A_182 : i32
      %jit3A_246 = arith.constant 1 : i32
      %jit3A_247 = arith.constant 0 : i32
      %select_n3A_248 = arith.select %lt3A_245, %jit3A_246, %jit3A_247 : i32
      %add3A_249 = arith.addi %add3A_242, %select_n3A_248 : i32
      %slice3A_250 = vector.extract_strided_slice %get3A_199 {offsets = [7], sizes = [1], strides = [1]} : vector<16xi32> to vector<1xi32>
      %squeeze3A_251 = vector.extract %slice3A_250[0] : i32 from vector<1xi32>
      %lt3A_252 = arith.cmpi slt, %squeeze3A_251, %add3A_182 : i32
      %jit3A_253 = arith.constant 1 : i32
      %jit3A_254 = arith.constant 0 : i32
      %select_n3A_255 = arith.select %lt3A_252, %jit3A_253, %jit3A_254 : i32
      %add3A_256 = arith.addi %add3A_249, %select_n3A_255 : i32
      %slice3A_257 = vector.extract_strided_slice %get3A_199 {offsets = [8], sizes = [1], strides = [1]} : vector<16xi32> to vector<1xi32>
      %squeeze3A_258 = vector.extract %slice3A_257[0] : i32 from vector<1xi32>
      %lt3A_259 = arith.cmpi slt, %squeeze3A_258, %add3A_182 : i32
      %jit3A_260 = arith.constant 1 : i32
      %jit3A_261 = arith.constant 0 : i32
      %select_n3A_262 = arith.select %lt3A_259, %jit3A_260, %jit3A_261 : i32
      %add3A_263 = arith.addi %add3A_256, %select_n3A_262 : i32
      %slice3A_264 = vector.extract_strided_slice %get3A_199 {offsets = [9], sizes = [1], strides = [1]} : vector<16xi32> to vector<1xi32>
      %squeeze3A_265 = vector.extract %slice3A_264[0] : i32 from vector<1xi32>
      %lt3A_266 = arith.cmpi slt, %squeeze3A_265, %add3A_182 : i32
      %jit3A_267 = arith.constant 1 : i32
      %jit3A_268 = arith.constant 0 : i32
      %select_n3A_269 = arith.select %lt3A_266, %jit3A_267, %jit3A_268 : i32
      %add3A_270 = arith.addi %add3A_263, %select_n3A_269 : i32
      %slice3A_271 = vector.extract_strided_slice %get3A_199 {offsets = [10], sizes = [1], strides = [1]} : vector<16xi32> to vector<1xi32>
      %squeeze3A_272 = vector.extract %slice3A_271[0] : i32 from vector<1xi32>
      %lt3A_273 = arith.cmpi slt, %squeeze3A_272, %add3A_182 : i32
      %jit3A_274 = arith.constant 1 : i32
      %jit3A_275 = arith.constant 0 : i32
      %select_n3A_276 = arith.select %lt3A_273, %jit3A_274, %jit3A_275 : i32
      %add3A_277 = arith.addi %add3A_270, %select_n3A_276 : i32
      %slice3A_278 = vector.extract_strided_slice %get3A_199 {offsets = [11], sizes = [1], strides = [1]} : vector<16xi32> to vector<1xi32>
      %squeeze3A_279 = vector.extract %slice3A_278[0] : i32 from vector<1xi32>
      %lt3A_280 = arith.cmpi slt, %squeeze3A_279, %add3A_182 : i32
      %jit3A_281 = arith.constant 1 : i32
      %jit3A_282 = arith.constant 0 : i32
      %select_n3A_283 = arith.select %lt3A_280, %jit3A_281, %jit3A_282 : i32
      %add3A_284 = arith.addi %add3A_277, %select_n3A_283 : i32
      %slice3A_285 = vector.extract_strided_slice %get3A_199 {offsets = [12], sizes = [1], strides = [1]} : vector<16xi32> to vector<1xi32>
      %squeeze3A_286 = vector.extract %slice3A_285[0] : i32 from vector<1xi32>
      %lt3A_287 = arith.cmpi slt, %squeeze3A_286, %add3A_182 : i32
      %jit3A_288 = arith.constant 1 : i32
      %jit3A_289 = arith.constant 0 : i32
      %select_n3A_290 = arith.select %lt3A_287, %jit3A_288, %jit3A_289 : i32
      %add3A_291 = arith.addi %add3A_284, %select_n3A_290 : i32
      %slice3A_292 = vector.extract_strided_slice %get3A_199 {offsets = [13], sizes = [1], strides = [1]} : vector<16xi32> to vector<1xi32>
      %squeeze3A_293 = vector.extract %slice3A_292[0] : i32 from vector<1xi32>
      %lt3A_294 = arith.cmpi slt, %squeeze3A_293, %add3A_182 : i32
      %jit3A_295 = arith.constant 1 : i32
      %jit3A_296 = arith.constant 0 : i32
      %select_n3A_297 = arith.select %lt3A_294, %jit3A_295, %jit3A_296 : i32
      %add3A_298 = arith.addi %add3A_291, %select_n3A_297 : i32
      %slice3A_299 = vector.extract_strided_slice %get3A_199 {offsets = [14], sizes = [1], strides = [1]} : vector<16xi32> to vector<1xi32>
      %squeeze3A_300 = vector.extract %slice3A_299[0] : i32 from vector<1xi32>
      %lt3A_301 = arith.cmpi slt, %squeeze3A_300, %add3A_182 : i32
      %jit3A_302 = arith.constant 1 : i32
      %jit3A_303 = arith.constant 0 : i32
      %select_n3A_304 = arith.select %lt3A_301, %jit3A_302, %jit3A_303 : i32
      %add3A_305 = arith.addi %add3A_298, %select_n3A_304 : i32
      %slice3A_306 = vector.extract_strided_slice %get3A_199 {offsets = [15], sizes = [1], strides = [1]} : vector<16xi32> to vector<1xi32>
      %squeeze3A_307 = vector.extract %slice3A_306[0] : i32 from vector<1xi32>
      %lt3A_308 = arith.cmpi slt, %squeeze3A_307, %add3A_182 : i32
      %jit3A_309 = arith.constant 1 : i32
      %jit3A_310 = arith.constant 0 : i32
      %select_n3A_311 = arith.select %lt3A_308, %jit3A_309, %jit3A_310 : i32
      %add3A_312 = arith.addi %add3A_305, %select_n3A_311 : i32
      %eq3A_313 = arith.constant 0 : i32
      %eq3A_314 = arith.cmpi eq, %scan3A_189#0, %eq3A_313 : i32
      %sub3A_315 = arith.constant 1 : i32
      %sub3A_316 = arith.subi %scan3A_189#0, %sub3A_315 : i32
      %mul3A_317 = arith.constant 16 : i32
      %mul3A_318 = arith.muli %sub3A_316, %mul3A_317 : i32
      %add3A_319 = arith.addi %mul3A_318, %add3A_312 : i32
      %jit3A_320 = arith.constant 0 : i32
      %select_n3A_321 = arith.select %eq3A_314, %jit3A_320, %add3A_319 : i32
      %sub3A_322 = arith.subi %select_n3A_321, %while3A_176 : i32
      %broadcast_in_dim3A_323 = vector.broadcast %sub3A_322 : i32 to vector<16xi32>
      %broadcast_in_dim3A_324 = vector.broadcast %while3A_175 : i32 to vector<16xi32>
      %add3A_325 = arith.constant 0 : i32
      %add3A_326 = vector.broadcast %add3A_325 : i32 to vector<16xi32>
      %add3A_327 = arith.addi %iota3A, %add3A_326 : vector<16xi32>
      %eq3A_328 = arith.cmpi eq, %add3A_327, %broadcast_in_dim3A_324 : vector<16xi32>
      %add3A_329 = arith.addi %while3A_177, %broadcast_in_dim3A_323 : vector<16xi32>
      %select_n3A_330 = arith.select %eq3A_328, %add3A_329, %while3A_177 : vector<16xi1>, vector<16xi32>
      %add3A_331 = arith.constant 16 : i32
      %add3A_332 = vector.broadcast %add3A_331 : i32 to vector<16xi32>
      %add3A_333 = arith.addi %iota3A, %add3A_332 : vector<16xi32>
      %eq3A_334 = arith.cmpi eq, %add3A_333, %broadcast_in_dim3A_324 : vector<16xi32>
      %add3A_335 = arith.addi %while3A_178, %broadcast_in_dim3A_323 : vector<16xi32>
      %select_n3A_336 = arith.select %eq3A_334, %add3A_335, %while3A_178 : vector<16xi1>, vector<16xi32>
      %add3A_337 = arith.constant 32 : i32
      %add3A_338 = vector.broadcast %add3A_337 : i32 to vector<16xi32>
      %add3A_339 = arith.addi %iota3A, %add3A_338 : vector<16xi32>
      %eq3A_340 = arith.cmpi eq, %add3A_339, %broadcast_in_dim3A_324 : vector<16xi32>
      %add3A_341 = arith.addi %while3A_179, %broadcast_in_dim3A_323 : vector<16xi32>
      %select_n3A_342 = arith.select %eq3A_340, %add3A_341, %while3A_179 : vector<16xi1>, vector<16xi32>
      %add3A_343 = arith.constant 48 : i32
      %add3A_344 = vector.broadcast %add3A_343 : i32 to vector<16xi32>
      %add3A_345 = arith.addi %iota3A, %add3A_344 : vector<16xi32>
      %eq3A_346 = arith.cmpi eq, %add3A_345, %broadcast_in_dim3A_324 : vector<16xi32>
      %add3A_347 = arith.addi %while3A_180, %broadcast_in_dim3A_323 : vector<16xi32>
      %select_n3A_348 = arith.select %eq3A_346, %add3A_347, %while3A_180 : vector<16xi1>, vector<16xi32>
      scf.yield %select_n3A_321, %select_n3A_330, %select_n3A_336, %select_n3A_342, %select_n3A_348 : i32, vector<16xi32>, vector<16xi32>, vector<16xi32>, vector<16xi32>
    }
    %while3A_158 = arith.constant 1 : i32
    %while3A_159:5 = scf.for %while3A_175 = %while3A_155 to %while3A_151 step %while3A_158 iter_args(%while3A_176 = %while3A_157#0, %while3A_177 = %while3A_157#1, %while3A_178 = %while3A_157#2, %while3A_179 = %while3A_157#3, %while3A_180 = %while3A_157#4) -> (i32, vector<16xi32>, vector<16xi32>, vector<16xi32>, vector<16xi32>)  : i32 {
      %add3A_181 = arith.constant 1 : i32
      %add3A_182 = arith.addi %while3A_175, %add3A_181 : i32
      %scan3A_183 = arith.constant 0 : i32
      %scan3A_184 = arith.constant 196 : i32
      %scan3A_185 = arith.constant 0 : i32
      %scan3A_186 = arith.constant 8 : i32
      %scan3A_187 = arith.addi %scan3A_185, %scan3A_186 : i32
      %scan3A_188 = arith.constant 1 : i32
      %scan3A_189:2 = scf.for %scan3A_349 = %scan3A_185 to %scan3A_187 step %scan3A_188 iter_args(%scan3A_350 = %scan3A_183, %scan3A_351 = %scan3A_184) -> (i32, i32)  : i32 {
        %lt3A_352 = arith.cmpi slt, %scan3A_350, %scan3A_351 : i32
        %add3A_353 = arith.addi %scan3A_350, %scan3A_351 : i32
        %jit3A_354 = arith.constant 2 : i32
        %div3A = arith.divsi %add3A_353, %jit3A_354 : i32
        %sign3A = arith.constant 0 : i32
        %sign3A_355 = arith.cmpi sgt, %add3A_353, %sign3A : i32
        %sign3A_356 = arith.extui %sign3A_355 : i1 to i32
        %sign3A_357 = arith.constant 0 : i32
        %sign3A_358 = arith.cmpi slt, %add3A_353, %sign3A_357 : i32
        %sign3A_359 = arith.extui %sign3A_358 : i1 to i32
        %sign3A_360 = arith.subi %sign3A_356, %sign3A_359 : i32
        %sign3A_361 = arith.constant 0 : i32
        %sign3A_362 = arith.cmpi sgt, %jit3A_354, %sign3A_361 : i32
        %sign3A_363 = arith.extui %sign3A_362 : i1 to i32
        %sign3A_364 = arith.constant 0 : i32
        %sign3A_365 = arith.cmpi slt, %jit3A_354, %sign3A_364 : i32
        %sign3A_366 = arith.extui %sign3A_365 : i1 to i32
        %sign3A_367 = arith.subi %sign3A_363, %sign3A_366 : i32
        %ne3A = arith.cmpi ne, %sign3A_360, %sign3A_367 : i32
        %rem3A = arith.remsi %add3A_353, %jit3A_354 : i32
        %ne3A_368 = arith.constant 0 : i32
        %ne3A_369 = arith.cmpi ne, %rem3A, %ne3A_368 : i32
        %and3A = arith.andi %ne3A, %ne3A_369 : i1
        %sub3A_370 = arith.constant 1 : i32
        %sub3A_371 = arith.subi %div3A, %sub3A_370 : i32
        %select_n3A_372 = arith.select %and3A, %sub3A_371, %div3A : i32
        %min3A = arith.constant 195 : i32
        %min3A_373 = arith.minsi %select_n3A_372, %min3A : i32
        %mul3A_374 = arith.constant 16 : i32
        %mul3A_375 = arith.muli %min3A_373, %mul3A_374 : i32
        %get3A_376 = arith.index_cast %mul3A_375 : i32 to index
        %get3A_377 = tpu.vector_load %arg4[%get3A_376] {strides = array<i32>} : memref<3136xi32, #tpu.memory_space<vmem>>, vector<16xi32>,
        %get3A_378 = vector.shape_cast %get3A_377 : vector<16xi32> to vector<16xi32>
        %slice3A_379 = vector.extract_strided_slice %get3A_378 {offsets = [0], sizes = [1], strides = [1]} : vector<16xi32> to vector<1xi32>
        %squeeze3A_380 = vector.extract %slice3A_379[0] : i32 from vector<1xi32>
        %ge3A = arith.cmpi sge, %squeeze3A_380, %add3A_182 : i32
        %not3A = arith.constant true
        %not3A_381 = arith.xori %ge3A, %not3A : i1
        %and3A_382 = arith.andi %lt3A_352, %not3A_381 : i1
        %add3A_383 = arith.constant 1 : i32
        %add3A_384 = arith.addi %min3A_373, %add3A_383 : i32
        %select_n3A_385 = arith.select %and3A_382, %add3A_384, %scan3A_350 : i32
        %and3A_386 = arith.andi %lt3A_352, %ge3A : i1
        %select_n3A_387 = arith.select %and3A_386, %min3A_373, %scan3A_351 : i32
        scf.yield %select_n3A_385, %select_n3A_387 : i32, i32
      }
      %scan3A_190 = arith.constant 8 : i32
      %sub3A_191 = arith.constant 1 : i32
      %sub3A_192 = arith.subi %scan3A_189#0, %sub3A_191 : i32
      %max3A_193 = arith.constant 0 : i32
      %max3A_194 = arith.maxsi %sub3A_192, %max3A_193 : i32
      %mul3A_195 = arith.constant 16 : i32
      %mul3A_196 = arith.muli %max3A_194, %mul3A_195 : i32
      %get3A_197 = arith.index_cast %mul3A_196 : i32 to index
      %get3A_198 = tpu.vector_load %arg4[%get3A_197] {strides = array<i32>} : memref<3136xi32, #tpu.memory_space<vmem>>, vector<16xi32>,
      %get3A_199 = vector.shape_cast %get3A_198 : vector<16xi32> to vector<16xi32>
      %slice3A_200 = vector.extract_strided_slice %get3A_199 {offsets = [0], sizes = [1], strides = [1]} : vector<16xi32> to vector<1xi32>
      %squeeze3A_201 = vector.extract %slice3A_200[0] : i32 from vector<1xi32>
      %lt3A_202 = arith.cmpi slt, %squeeze3A_201, %add3A_182 : i32
      %jit3A_203 = arith.constant 1 : i32
      %jit3A_204 = arith.constant 0 : i32
      %select_n3A_205 = arith.select %lt3A_202, %jit3A_203, %jit3A_204 : i32
      %add3A_206 = arith.constant 0 : i32
      %add3A_207 = arith.addi %add3A_206, %select_n3A_205 : i32
      %slice3A_208 = vector.extract_strided_slice %get3A_199 {offsets = [1], sizes = [1], strides = [1]} : vector<16xi32> to vector<1xi32>
      %squeeze3A_209 = vector.extract %slice3A_208[0] : i32 from vector<1xi32>
      %lt3A_210 = arith.cmpi slt, %squeeze3A_209, %add3A_182 : i32
      %jit3A_211 = arith.constant 1 : i32
      %jit3A_212 = arith.constant 0 : i32
      %select_n3A_213 = arith.select %lt3A_210, %jit3A_211, %jit3A_212 : i32
      %add3A_214 = arith.addi %add3A_207, %select_n3A_213 : i32
      %slice3A_215 = vector.extract_strided_slice %get3A_199 {offsets = [2], sizes = [1], strides = [1]} : vector<16xi32> to vector<1xi32>
      %squeeze3A_216 = vector.extract %slice3A_215[0] : i32 from vector<1xi32>
      %lt3A_217 = arith.cmpi slt, %squeeze3A_216, %add3A_182 : i32
      %jit3A_218 = arith.constant 1 : i32
      %jit3A_219 = arith.constant 0 : i32
      %select_n3A_220 = arith.select %lt3A_217, %jit3A_218, %jit3A_219 : i32
      %add3A_221 = arith.addi %add3A_214, %select_n3A_220 : i32
      %slice3A_222 = vector.extract_strided_slice %get3A_199 {offsets = [3], sizes = [1], strides = [1]} : vector<16xi32> to vector<1xi32>
      %squeeze3A_223 = vector.extract %slice3A_222[0] : i32 from vector<1xi32>
      %lt3A_224 = arith.cmpi slt, %squeeze3A_223, %add3A_182 : i32
      %jit3A_225 = arith.constant 1 : i32
      %jit3A_226 = arith.constant 0 : i32
      %select_n3A_227 = arith.select %lt3A_224, %jit3A_225, %jit3A_226 : i32
      %add3A_228 = arith.addi %add3A_221, %select_n3A_227 : i32
      %slice3A_229 = vector.extract_strided_slice %get3A_199 {offsets = [4], sizes = [1], strides = [1]} : vector<16xi32> to vector<1xi32>
      %squeeze3A_230 = vector.extract %slice3A_229[0] : i32 from vector<1xi32>
      %lt3A_231 = arith.cmpi slt, %squeeze3A_230, %add3A_182 : i32
      %jit3A_232 = arith.constant 1 : i32
      %jit3A_233 = arith.constant 0 : i32
      %select_n3A_234 = arith.select %lt3A_231, %jit3A_232, %jit3A_233 : i32
      %add3A_235 = arith.addi %add3A_228, %select_n3A_234 : i32
      %slice3A_236 = vector.extract_strided_slice %get3A_199 {offsets = [5], sizes = [1], strides = [1]} : vector<16xi32> to vector<1xi32>
      %squeeze3A_237 = vector.extract %slice3A_236[0] : i32 from vector<1xi32>
      %lt3A_238 = arith.cmpi slt, %squeeze3A_237, %add3A_182 : i32
      %jit3A_239 = arith.constant 1 : i32
      %jit3A_240 = arith.constant 0 : i32
      %select_n3A_241 = arith.select %lt3A_238, %jit3A_239, %jit3A_240 : i32
      %add3A_242 = arith.addi %add3A_235, %select_n3A_241 : i32
      %slice3A_243 = vector.extract_strided_slice %get3A_199 {offsets = [6], sizes = [1], strides = [1]} : vector<16xi32> to vector<1xi32>
      %squeeze3A_244 = vector.extract %slice3A_243[0] : i32 from vector<1xi32>
      %lt3A_245 = arith.cmpi slt, %squeeze3A_244, %add3A_182 : i32
      %jit3A_246 = arith.constant 1 : i32
      %jit3A_247 = arith.constant 0 : i32
      %select_n3A_248 = arith.select %lt3A_245, %jit3A_246, %jit3A_247 : i32
      %add3A_249 = arith.addi %add3A_242, %select_n3A_248 : i32
      %slice3A_250 = vector.extract_strided_slice %get3A_199 {offsets = [7], sizes = [1], strides = [1]} : vector<16xi32> to vector<1xi32>
      %squeeze3A_251 = vector.extract %slice3A_250[0] : i32 from vector<1xi32>
      %lt3A_252 = arith.cmpi slt, %squeeze3A_251, %add3A_182 : i32
      %jit3A_253 = arith.constant 1 : i32
      %jit3A_254 = arith.constant 0 : i32
      %select_n3A_255 = arith.select %lt3A_252, %jit3A_253, %jit3A_254 : i32
      %add3A_256 = arith.addi %add3A_249, %select_n3A_255 : i32
      %slice3A_257 = vector.extract_strided_slice %get3A_199 {offsets = [8], sizes = [1], strides = [1]} : vector<16xi32> to vector<1xi32>
      %squeeze3A_258 = vector.extract %slice3A_257[0] : i32 from vector<1xi32>
      %lt3A_259 = arith.cmpi slt, %squeeze3A_258, %add3A_182 : i32
      %jit3A_260 = arith.constant 1 : i32
      %jit3A_261 = arith.constant 0 : i32
      %select_n3A_262 = arith.select %lt3A_259, %jit3A_260, %jit3A_261 : i32
      %add3A_263 = arith.addi %add3A_256, %select_n3A_262 : i32
      %slice3A_264 = vector.extract_strided_slice %get3A_199 {offsets = [9], sizes = [1], strides = [1]} : vector<16xi32> to vector<1xi32>
      %squeeze3A_265 = vector.extract %slice3A_264[0] : i32 from vector<1xi32>
      %lt3A_266 = arith.cmpi slt, %squeeze3A_265, %add3A_182 : i32
      %jit3A_267 = arith.constant 1 : i32
      %jit3A_268 = arith.constant 0 : i32
      %select_n3A_269 = arith.select %lt3A_266, %jit3A_267, %jit3A_268 : i32
      %add3A_270 = arith.addi %add3A_263, %select_n3A_269 : i32
      %slice3A_271 = vector.extract_strided_slice %get3A_199 {offsets = [10], sizes = [1], strides = [1]} : vector<16xi32> to vector<1xi32>
      %squeeze3A_272 = vector.extract %slice3A_271[0] : i32 from vector<1xi32>
      %lt3A_273 = arith.cmpi slt, %squeeze3A_272, %add3A_182 : i32
      %jit3A_274 = arith.constant 1 : i32
      %jit3A_275 = arith.constant 0 : i32
      %select_n3A_276 = arith.select %lt3A_273, %jit3A_274, %jit3A_275 : i32
      %add3A_277 = arith.addi %add3A_270, %select_n3A_276 : i32
      %slice3A_278 = vector.extract_strided_slice %get3A_199 {offsets = [11], sizes = [1], strides = [1]} : vector<16xi32> to vector<1xi32>
      %squeeze3A_279 = vector.extract %slice3A_278[0] : i32 from vector<1xi32>
      %lt3A_280 = arith.cmpi slt, %squeeze3A_279, %add3A_182 : i32
      %jit3A_281 = arith.constant 1 : i32
      %jit3A_282 = arith.constant 0 : i32
      %select_n3A_283 = arith.select %lt3A_280, %jit3A_281, %jit3A_282 : i32
      %add3A_284 = arith.addi %add3A_277, %select_n3A_283 : i32
      %slice3A_285 = vector.extract_strided_slice %get3A_199 {offsets = [12], sizes = [1], strides = [1]} : vector<16xi32> to vector<1xi32>
      %squeeze3A_286 = vector.extract %slice3A_285[0] : i32 from vector<1xi32>
      %lt3A_287 = arith.cmpi slt, %squeeze3A_286, %add3A_182 : i32
      %jit3A_288 = arith.constant 1 : i32
      %jit3A_289 = arith.constant 0 : i32
      %select_n3A_290 = arith.select %lt3A_287, %jit3A_288, %jit3A_289 : i32
      %add3A_291 = arith.addi %add3A_284, %select_n3A_290 : i32
      %slice3A_292 = vector.extract_strided_slice %get3A_199 {offsets = [13], sizes = [1], strides = [1]} : vector<16xi32> to vector<1xi32>
      %squeeze3A_293 = vector.extract %slice3A_292[0] : i32 from vector<1xi32>
      %lt3A_294 = arith.cmpi slt, %squeeze3A_293, %add3A_182 : i32
      %jit3A_295 = arith.constant 1 : i32
      %jit3A_296 = arith.constant 0 : i32
      %select_n3A_297 = arith.select %lt3A_294, %jit3A_295, %jit3A_296 : i32
      %add3A_298 = arith.addi %add3A_291, %select_n3A_297 : i32
      %slice3A_299 = vector.extract_strided_slice %get3A_199 {offsets = [14], sizes = [1], strides = [1]} : vector<16xi32> to vector<1xi32>
      %squeeze3A_300 = vector.extract %slice3A_299[0] : i32 from vector<1xi32>
      %lt3A_301 = arith.cmpi slt, %squeeze3A_300, %add3A_182 : i32
      %jit3A_302 = arith.constant 1 : i32
      %jit3A_303 = arith.constant 0 : i32
      %select_n3A_304 = arith.select %lt3A_301, %jit3A_302, %jit3A_303 : i32
      %add3A_305 = arith.addi %add3A_298, %select_n3A_304 : i32
      %slice3A_306 = vector.extract_strided_slice %get3A_199 {offsets = [15], sizes = [1], strides = [1]} : vector<16xi32> to vector<1xi32>
      %squeeze3A_307 = vector.extract %slice3A_306[0] : i32 from vector<1xi32>
      %lt3A_308 = arith.cmpi slt, %squeeze3A_307, %add3A_182 : i32
      %jit3A_309 = arith.constant 1 : i32
      %jit3A_310 = arith.constant 0 : i32
      %select_n3A_311 = arith.select %lt3A_308, %jit3A_309, %jit3A_310 : i32
      %add3A_312 = arith.addi %add3A_305, %select_n3A_311 : i32
      %eq3A_313 = arith.constant 0 : i32
      %eq3A_314 = arith.cmpi eq, %scan3A_189#0, %eq3A_313 : i32
      %sub3A_315 = arith.constant 1 : i32
      %sub3A_316 = arith.subi %scan3A_189#0, %sub3A_315 : i32
      %mul3A_317 = arith.constant 16 : i32
      %mul3A_318 = arith.muli %sub3A_316, %mul3A_317 : i32
      %add3A_319 = arith.addi %mul3A_318, %add3A_312 : i32
      %jit3A_320 = arith.constant 0 : i32
      %select_n3A_321 = arith.select %eq3A_314, %jit3A_320, %add3A_319 : i32
      %sub3A_322 = arith.subi %select_n3A_321, %while3A_176 : i32
      %broadcast_in_dim3A_323 = vector.broadcast %sub3A_322 : i32 to vector<16xi32>
      %broadcast_in_dim3A_324 = vector.broadcast %while3A_175 : i32 to vector<16xi32>
      %add3A_325 = arith.constant 0 : i32
      %add3A_326 = vector.broadcast %add3A_325 : i32 to vector<16xi32>
      %add3A_327 = arith.addi %iota3A, %add3A_326 : vector<16xi32>
      %eq3A_328 = arith.cmpi eq, %add3A_327, %broadcast_in_dim3A_324 : vector<16xi32>
      %add3A_329 = arith.addi %while3A_177, %broadcast_in_dim3A_323 : vector<16xi32>
      %select_n3A_330 = arith.select %eq3A_328, %add3A_329, %while3A_177 : vector<16xi1>, vector<16xi32>
      %add3A_331 = arith.constant 16 : i32
      %add3A_332 = vector.broadcast %add3A_331 : i32 to vector<16xi32>
      %add3A_333 = arith.addi %iota3A, %add3A_332 : vector<16xi32>
      %eq3A_334 = arith.cmpi eq, %add3A_333, %broadcast_in_dim3A_324 : vector<16xi32>
      %add3A_335 = arith.addi %while3A_178, %broadcast_in_dim3A_323 : vector<16xi32>
      %select_n3A_336 = arith.select %eq3A_334, %add3A_335, %while3A_178 : vector<16xi1>, vector<16xi32>
      %add3A_337 = arith.constant 32 : i32
      %add3A_338 = vector.broadcast %add3A_337 : i32 to vector<16xi32>
      %add3A_339 = arith.addi %iota3A, %add3A_338 : vector<16xi32>
      %eq3A_340 = arith.cmpi eq, %add3A_339, %broadcast_in_dim3A_324 : vector<16xi32>
      %add3A_341 = arith.addi %while3A_179, %broadcast_in_dim3A_323 : vector<16xi32>
      %select_n3A_342 = arith.select %eq3A_340, %add3A_341, %while3A_179 : vector<16xi1>, vector<16xi32>
      %add3A_343 = arith.constant 48 : i32
      %add3A_344 = vector.broadcast %add3A_343 : i32 to vector<16xi32>
      %add3A_345 = arith.addi %iota3A, %add3A_344 : vector<16xi32>
      %eq3A_346 = arith.cmpi eq, %add3A_345, %broadcast_in_dim3A_324 : vector<16xi32>
      %add3A_347 = arith.addi %while3A_180, %broadcast_in_dim3A_323 : vector<16xi32>
      %select_n3A_348 = arith.select %eq3A_346, %add3A_347, %while3A_180 : vector<16xi1>, vector<16xi32>
      scf.yield %select_n3A_321, %select_n3A_330, %select_n3A_336, %select_n3A_342, %select_n3A_348 : i32, vector<16xi32>, vector<16xi32>, vector<16xi32>, vector<16xi32>
    }
    %swap3A = arith.constant 0 : index
    %swap3A_160 = tpu.vector_load %arg5[%swap3A] {strides = array<i32>} : memref<64xi32, #tpu.memory_space<vmem>>, vector<16xi32>,
    %swap3A_161 = vector.shape_cast %swap3A_160 : vector<16xi32> to vector<16xi32>
    %swap3A_162 = vector.shape_cast %while3A_159#1 : vector<16xi32> to vector<16xi32>
    tpu.vector_store %arg5[%swap3A], %swap3A_162 {strides = array<i32>} : memref<64xi32, #tpu.memory_space<vmem>>, vector<16xi32>,
    %swap3A_163 = arith.constant 16 : index
    %swap3A_164 = tpu.vector_load %arg5[%swap3A_163] {strides = array<i32>} : memref<64xi32, #tpu.memory_space<vmem>>, vector<16xi32>,
    %swap3A_165 = vector.shape_cast %swap3A_164 : vector<16xi32> to vector<16xi32>
    %swap3A_166 = vector.shape_cast %while3A_159#2 : vector<16xi32> to vector<16xi32>
    tpu.vector_store %arg5[%swap3A_163], %swap3A_166 {strides = array<i32>} : memref<64xi32, #tpu.memory_space<vmem>>, vector<16xi32>,
    %swap3A_167 = arith.constant 32 : index
    %swap3A_168 = tpu.vector_load %arg5[%swap3A_167] {strides = array<i32>} : memref<64xi32, #tpu.memory_space<vmem>>, vector<16xi32>,
    %swap3A_169 = vector.shape_cast %swap3A_168 : vector<16xi32> to vector<16xi32>
    %swap3A_170 = vector.shape_cast %while3A_159#3 : vector<16xi32> to vector<16xi32>
    tpu.vector_store %arg5[%swap3A_167], %swap3A_170 {strides = array<i32>} : memref<64xi32, #tpu.memory_space<vmem>>, vector<16xi32>,
    %swap3A_171 = arith.constant 48 : index
    %swap3A_172 = tpu.vector_load %arg5[%swap3A_171] {strides = array<i32>} : memref<64xi32, #tpu.memory_space<vmem>>, vector<16xi32>,
    %swap3A_173 = vector.shape_cast %swap3A_172 : vector<16xi32> to vector<16xi32>
    %swap3A_174 = vector.shape_cast %while3A_159#4 : vector<16xi32> to vector<16xi32>
    tpu.vector_store %arg5[%swap3A_171], %swap3A_174 {strides = array<i32>} : memref<64xi32, #tpu.memory_space<vmem>>, vector<16xi32>,
    "tpu.region"() ({
      %run_scoped3A = tpu.sem_alloc : memref<!tpu.dma_semaphore, #tpu.memory_space<semaphore_mem>>
      %dma_start3A = arith.constant 0 : i32
      %dma_start3A_175 = tpu.memref_slice %arg3[%add3A, %dma_start3A] : memref<32x64xi32, #tpu.memory_space<hbm>> -> memref<1x64xi32, #tpu.memory_space<hbm>>
      %dma_start3A_176 = tpu.memref_squeeze %dma_start3A_175 : memref<1x64xi32, #tpu.memory_space<hbm>> -> memref<64xi32, #tpu.memory_space<hbm>>
      %dma_start3A_177 = arith.constant 0 : i32
      %dma_start3A_178 = tpu.memref_slice %arg3[%add3A, %dma_start3A_177] : memref<32x64xi32, #tpu.memory_space<hbm>> -> memref<1x64xi32, #tpu.memory_space<hbm>>
      %dma_start3A_179 = tpu.memref_squeeze %dma_start3A_178 : memref<1x64xi32, #tpu.memory_space<hbm>> -> memref<64xi32, #tpu.memory_space<hbm>>
      tpu.enqueue_dma source(%arg5 : memref<64xi32, #tpu.memory_space<vmem>>) target(%dma_start3A_179 : memref<64xi32, #tpu.memory_space<hbm>>) target_semaphore(%run_scoped3A : memref<!tpu.dma_semaphore, #tpu.memory_space<semaphore_mem>>)
      %dma_wait3A = arith.constant 0 : i32
      %dma_wait3A_180 = tpu.memref_slice %arg3[%add3A, %dma_wait3A] : memref<32x64xi32, #tpu.memory_space<hbm>> -> memref<1x64xi32, #tpu.memory_space<hbm>>
      %dma_wait3A_181 = tpu.memref_squeeze %dma_wait3A_180 : memref<1x64xi32, #tpu.memory_space<hbm>> -> memref<64xi32, #tpu.memory_space<hbm>>
      %dma_wait3A_182 = arith.constant 0 : i32
      %dma_wait3A_183 = tpu.memref_slice %arg3[%add3A, %dma_wait3A_182] : memref<32x64xi32, #tpu.memory_space<hbm>> -> memref<1x64xi32, #tpu.memory_space<hbm>>
      %dma_wait3A_184 = tpu.memref_squeeze %dma_wait3A_183 : memref<1x64xi32, #tpu.memory_space<hbm>> -> memref<64xi32, #tpu.memory_space<hbm>>
      tpu.wait_dma2 semaphore(%run_scoped3A : memref<!tpu.dma_semaphore, #tpu.memory_space<semaphore_mem>>) src(%arg5 : memref<64xi32, #tpu.memory_space<vmem>>) dst(%dma_wait3A_184 : memref<64xi32, #tpu.memory_space<hbm>>)
      tpu.yield
    }) : () -> ()
    return
  }
}

module attributes {stable_mosaic.version = 14 : i64} {
  func.func @_tc_body(%arg0: i32, %arg1: memref<10000x128xf32, #tpu.memory_space<vmem>>, %arg2: memref<1x1x10000xi32, #tpu.memory_space<vmem>>, %arg3: memref<128x32xf32, #tpu.memory_space<vmem>>, %arg4: memref<1x32xf32, #tpu.memory_space<vmem>>, %arg5: memref<32x2xf32, #tpu.memory_space<vmem>>, %arg6: memref<1x2xf32, #tpu.memory_space<vmem>>, %arg7: memref<10000x2xf32, #tpu.memory_space<vmem>>, %arg8: memref<1x128xf32, #tpu.memory_space<vmem>>, %arg9: memref<1x128xf32, #tpu.memory_space<vmem>>) attributes {dimension_semantics = [#tpu.dimension_semantics<arbitrary>], iteration_bounds = array<i64: 10>, scalar_prefetch = 0 : i64, scratch_operands = 1 : i64, tpu.core_type = #tpu.core_type<tc>, window_params = [{transform_indices = @transform_0, window_bounds = array<i64: 10000, 128>}, {transform_indices = @transform_1, window_bounds = array<i64: 1, 1, 10000>}, {pipeline_mode = #tpu.pipeline_mode<synchronous>, transform_indices = @transform_2, window_bounds = array<i64: 128, 32>}, {pipeline_mode = #tpu.pipeline_mode<synchronous>, transform_indices = @transform_3, window_bounds = array<i64: 1, 32>}, {pipeline_mode = #tpu.pipeline_mode<synchronous>, transform_indices = @transform_4, window_bounds = array<i64: 32, 2>}, {pipeline_mode = #tpu.pipeline_mode<synchronous>, transform_indices = @transform_5, window_bounds = array<i64: 1, 2>}, {transform_indices = @transform_6, window_bounds = array<i64: 10000, 2>}, {pipeline_mode = #tpu.pipeline_mode<synchronous>, transform_indices = @transform_7, window_bounds = array<i64: 1, 128>}]} {
    %get3A = arith.constant 0 : index
    %get3A_0 = arith.constant 0 : index
    %get3A_1 = vector.load %arg1[%get3A, %get3A_0] : memref<10000x128xf32, #tpu.memory_space<vmem>>, vector<10000x128xf32>
    %get3A_2 = arith.constant 0 : index
    %get3A_3 = arith.constant 0 : index
    %get3A_4 = arith.constant 0 : index
    %get3A_5 = vector.load %arg2[%get3A_2, %get3A_3, %get3A_4] : memref<1x1x10000xi32, #tpu.memory_space<vmem>>, vector<1x1x10000xi32>
    %get3A_6 = vector.shape_cast %get3A_5 : vector<1x1x10000xi32> to vector<10000xi32>
    %get3A_7 = arith.constant 0 : index
    %get3A_8 = arith.constant 0 : index
    %get3A_9 = vector.load %arg3[%get3A_7, %get3A_8] : memref<128x32xf32, #tpu.memory_space<vmem>>, vector<128x32xf32>
    %dot_general3A = arith.constant dense<0.000000e+00> : vector<10000x32xf32>
    %dot_general3A_10 = tpu.matmul %get3A_1, %get3A_9, %dot_general3A {dimension_numbers = #tpu.dot_dimension_numbers<[1], [0], [0], [1], [0, 0, 1, 1], [], []>, transpose_lhs_hint = false} : vector<10000x128xf32>, vector<128x32xf32>, vector<10000x32xf32> -> vector<10000x32xf32>
    %get3A_11 = arith.constant 0 : index
    %get3A_12 = arith.constant 0 : index
    %get3A_13 = vector.load %arg4[%get3A_11, %get3A_12] : memref<1x32xf32, #tpu.memory_space<vmem>>, vector<1x32xf32>
    %add3A = vector.broadcast %get3A_13 : vector<1x32xf32> to vector<10000x32xf32>
    %add3A_14 = arith.addf %dot_general3A_10, %add3A : vector<10000x32xf32>
    %max3A = arith.constant 0.000000e+00 : f32
    %max3A_15 = vector.broadcast %max3A : f32 to vector<10000x32xf32>
    %max3A_16 = arith.maximumf %add3A_14, %max3A_15 : vector<10000x32xf32>
    %get3A_17 = arith.constant 0 : index
    %get3A_18 = arith.constant 0 : index
    %get3A_19 = vector.load %arg5[%get3A_17, %get3A_18] : memref<32x2xf32, #tpu.memory_space<vmem>>, vector<32x2xf32>
    %dot_general3A_20 = arith.constant dense<0.000000e+00> : vector<10000x2xf32>
    %dot_general3A_21 = tpu.matmul %max3A_16, %get3A_19, %dot_general3A_20 {dimension_numbers = #tpu.dot_dimension_numbers<[1], [0], [0], [1], [0, 0, 1, 1], [], []>, transpose_lhs_hint = false} : vector<10000x32xf32>, vector<32x2xf32>, vector<10000x2xf32> -> vector<10000x2xf32>
    %get3A_22 = arith.constant 0 : index
    %get3A_23 = arith.constant 0 : index
    %get3A_24 = vector.load %arg6[%get3A_22, %get3A_23] : memref<1x2xf32, #tpu.memory_space<vmem>>, vector<1x2xf32>
    %add3A_25 = vector.broadcast %get3A_24 : vector<1x2xf32> to vector<10000x2xf32>
    %add3A_26 = arith.addf %dot_general3A_21, %add3A_25 : vector<10000x2xf32>
    %max3A_27 = arith.constant 0.000000e+00 : f32
    %max3A_28 = vector.broadcast %max3A_27 : f32 to vector<10000x2xf32>
    %max3A_29 = arith.maximumf %add3A_26, %max3A_28 : vector<10000x2xf32>
    %swap3A = arith.constant 0 : index
    %swap3A_30 = arith.constant 0 : index
    %swap3A_31 = vector.load %arg7[%swap3A, %swap3A_30] : memref<10000x2xf32, #tpu.memory_space<vmem>>, vector<10000x2xf32>
    tpu.vector_store %arg7[%swap3A, %swap3A_30], %max3A_29 {strides = array<i32>} : memref<10000x2xf32, #tpu.memory_space<vmem>>, vector<10000x2xf32>,
    %eq3A = arith.constant 0 : i32
    %eq3A_32 = arith.cmpi eq, %arg0, %eq3A : i32
    %convert_element_type3A = arith.extui %eq3A_32 : i1 to i32
    %cond3A = arith.constant 0 : i32
    %cond3A_33 = arith.cmpi ne, %convert_element_type3A, %cond3A : i32
    scf.if %cond3A_33 {
      %broadcast_in_dim3A = arith.constant 0.000000e+00 : f32
      %broadcast_in_dim3A_44 = vector.broadcast %broadcast_in_dim3A : f32 to vector<1x128xf32>
      %swap3A_45 = arith.constant 0 : index
      %swap3A_46 = arith.constant 0 : index
      %swap3A_47 = vector.load %arg9[%swap3A_45, %swap3A_46] : memref<1x128xf32, #tpu.memory_space<vmem>>, vector<1x128xf32>
      tpu.vector_store %arg9[%swap3A_45, %swap3A_46], %broadcast_in_dim3A_44 {strides = array<i32>} : memref<1x128xf32, #tpu.memory_space<vmem>>, vector<1x128xf32>,
    } else {
    }
    %slice3A = vector.extract_strided_slice %get3A_6 {offsets = [0], sizes = [1], strides = [1]} : vector<10000xi32> to vector<1xi32>
    %squeeze3A = vector.extract %slice3A[0] : i32 from vector<1xi32>
    %eq3A_34 = arith.constant 0 : i32
    %eq3A_35 = arith.cmpi eq, %squeeze3A, %eq3A_34 : i32
    %convert_element_type3A_36 = arith.extui %eq3A_35 : i1 to i32
    %cond3A_37 = arith.constant 0 : i32
    %cond3A_38 = arith.cmpi ne, %convert_element_type3A_36, %cond3A_37 : i32
    scf.if %cond3A_38 {
      %eq3A_44 = arith.constant 0 : i32
      %eq3A_45 = vector.broadcast %eq3A_44 : i32 to vector<10000xi32>
      %eq3A_46 = arith.cmpi eq, %get3A_6, %eq3A_45 : vector<10000xi32>
      %convert_element_type3A_47 = arith.extui %eq3A_46 : vector<10000xi1> to vector<10000xi32>
      %convert_element_type3A_48 = arith.sitofp %convert_element_type3A_47 : vector<10000xi32> to vector<10000xf32>
      %broadcast_in_dim3A = vector.shape_cast %convert_element_type3A_48 : vector<10000xf32> to vector<10000x1xf32>
      %get3A_49 = arith.constant 0 : index
      %get3A_50 = arith.constant 0 : index
      %get3A_51 = vector.load %arg9[%get3A_49, %get3A_50] : memref<1x128xf32, #tpu.memory_space<vmem>>, vector<1x128xf32>
      %mul3A = vector.broadcast %broadcast_in_dim3A : vector<10000x1xf32> to vector<10000x128xf32>
      %mul3A_52 = arith.mulf %get3A_1, %mul3A : vector<10000x128xf32>
      %reduce_sum3A = arith.constant dense<0.000000e+00> : vector<128xf32>
      %reduce_sum3A_53 = vector.multi_reduction <add>, %mul3A_52, %reduce_sum3A [0] : vector<10000x128xf32> to vector<128xf32>
      %broadcast_in_dim3A_54 = vector.shape_cast %reduce_sum3A_53 : vector<128xf32> to vector<1x128xf32>
      %add3A_55 = arith.addf %get3A_51, %broadcast_in_dim3A_54 : vector<1x128xf32>
      %swap3A_56 = arith.constant 0 : index
      %swap3A_57 = arith.constant 0 : index
      %swap3A_58 = vector.load %arg9[%swap3A_56, %swap3A_57] : memref<1x128xf32, #tpu.memory_space<vmem>>, vector<1x128xf32>
      tpu.vector_store %arg9[%swap3A_56, %swap3A_57], %add3A_55 {strides = array<i32>} : memref<1x128xf32, #tpu.memory_space<vmem>>, vector<1x128xf32>,
    } else {
    }
    %eq3A_39 = arith.constant 9 : i32
    %eq3A_40 = arith.cmpi eq, %arg0, %eq3A_39 : i32
    %convert_element_type3A_41 = arith.extui %eq3A_40 : i1 to i32
    %cond3A_42 = arith.constant 0 : i32
    %cond3A_43 = arith.cmpi ne, %convert_element_type3A_41, %cond3A_42 : i32
    scf.if %cond3A_43 {
      %get3A_44 = arith.constant 0 : index
      %get3A_45 = arith.constant 0 : index
      %get3A_46 = vector.load %arg9[%get3A_44, %get3A_45] : memref<1x128xf32, #tpu.memory_space<vmem>>, vector<1x128xf32>
      %swap3A_47 = arith.constant 0 : index
      %swap3A_48 = arith.constant 0 : index
      %swap3A_49 = vector.load %arg8[%swap3A_47, %swap3A_48] : memref<1x128xf32, #tpu.memory_space<vmem>>, vector<1x128xf32>
      tpu.vector_store %arg8[%swap3A_47, %swap3A_48], %get3A_46 {strides = array<i32>} : memref<1x128xf32, #tpu.memory_space<vmem>>, vector<1x128xf32>,
    } else {
    }
    return
  }
  func.func @transform_0(%arg0: i32) -> (i32, i32) {
    %c0_i32 = arith.constant 0 : i32
    %c0_i32_0 = arith.constant 0 : i32
    return %arg0, %c0_i32 : i32, i32
  }
  func.func @transform_1(%arg0: i32) -> (i32, i32, i32) {
    %c0_i32 = arith.constant 0 : i32
    %c0_i32_0 = arith.constant 0 : i32
    %c0_i32_1 = arith.constant 0 : i32
    return %arg0, %c0_i32, %c0_i32_0 : i32, i32, i32
  }
  func.func @transform_2(%arg0: i32) -> (i32, i32) {
    %c0_i32 = arith.constant 0 : i32
    %c0_i32_0 = arith.constant 0 : i32
    %c0_i32_1 = arith.constant 0 : i32
    return %c0_i32, %c0_i32_0 : i32, i32
  }
  func.func @transform_3(%arg0: i32) -> (i32, i32) {
    %c0_i32 = arith.constant 0 : i32
    %c0_i32_0 = arith.constant 0 : i32
    %c0_i32_1 = arith.constant 0 : i32
    return %c0_i32, %c0_i32_0 : i32, i32
  }
  func.func @transform_4(%arg0: i32) -> (i32, i32) {
    %c0_i32 = arith.constant 0 : i32
    %c0_i32_0 = arith.constant 0 : i32
    %c0_i32_1 = arith.constant 0 : i32
    return %c0_i32, %c0_i32_0 : i32, i32
  }
  func.func @transform_5(%arg0: i32) -> (i32, i32) {
    %c0_i32 = arith.constant 0 : i32
    %c0_i32_0 = arith.constant 0 : i32
    %c0_i32_1 = arith.constant 0 : i32
    return %c0_i32, %c0_i32_0 : i32, i32
  }
  func.func @transform_6(%arg0: i32) -> (i32, i32) {
    %c0_i32 = arith.constant 0 : i32
    %c0_i32_0 = arith.constant 0 : i32
    return %arg0, %c0_i32 : i32, i32
  }
  func.func @transform_7(%arg0: i32) -> (i32, i32) {
    %c0_i32 = arith.constant 0 : i32
    %c0_i32_0 = arith.constant 0 : i32
    %c0_i32_1 = arith.constant 0 : i32
    return %c0_i32, %c0_i32_0 : i32, i32
  }
}

module attributes {stable_mosaic.version = 14 : i64} {
  func.func @_value_head_body(%arg0: memref<32x64xi32, #tpu.memory_space<vmem>>, %arg1: memref<1x128xf32, #tpu.memory_space<vmem>>, %arg2: memref<128x120xf32, #tpu.memory_space<vmem>>, %arg3: memref<1x120xf32, #tpu.memory_space<vmem>>, %arg4: memref<120x64xf32, #tpu.memory_space<vmem>>, %arg5: memref<1x64xf32, #tpu.memory_space<vmem>>, %arg6: memref<64x1xf32, #tpu.memory_space<vmem>>, %arg7: memref<1x1xf32, #tpu.memory_space<vmem>>, %arg8: memref<64x1xf32, #tpu.memory_space<vmem>>) attributes {dimension_semantics = [], scalar_prefetch = 0 : i64, scratch_operands = 0 : i64, tpu.core_type = #tpu.core_type<tc>} {
    %get3A = arith.constant 0 : index
    %get3A_0 = arith.constant 0 : index
    %get3A_1 = vector.load %arg0[%get3A, %get3A_0] : memref<32x64xi32, #tpu.memory_space<vmem>>, vector<32x64xi32>
    %convert_element_type3A = arith.sitofp %get3A_1 : vector<32x64xi32> to vector<32x64xf32>
    %reduce_sum3A = arith.constant dense<0.000000e+00> : vector<64xf32>
    %reduce_sum3A_2 = vector.multi_reduction <add>, %convert_element_type3A, %reduce_sum3A [0] : vector<32x64xf32> to vector<64xf32>
    %sqrt3A = math.sqrt %reduce_sum3A_2 : vector<64xf32>
    %reshape3A = vector.shape_cast %sqrt3A : vector<64xf32> to vector<64x1xf32>
    %get3A_3 = arith.constant 0 : index
    %get3A_4 = arith.constant 0 : index
    %get3A_5 = vector.load %arg1[%get3A_3, %get3A_4] : memref<1x128xf32, #tpu.memory_space<vmem>>, vector<1x128xf32>
    %div3A = vector.broadcast %get3A_5 : vector<1x128xf32> to vector<64x128xf32>
    %div3A_6 = vector.broadcast %reshape3A : vector<64x1xf32> to vector<64x128xf32>
    %div3A_7 = arith.divf %div3A, %div3A_6 : vector<64x128xf32>
    %get3A_8 = arith.constant 0 : index
    %get3A_9 = arith.constant 0 : index
    %get3A_10 = vector.load %arg2[%get3A_8, %get3A_9] : memref<128x120xf32, #tpu.memory_space<vmem>>, vector<128x120xf32>
    %dot_general3A = arith.constant dense<0.000000e+00> : vector<64x120xf32>
    %dot_general3A_11 = tpu.matmul %div3A_7, %get3A_10, %dot_general3A {dimension_numbers = #tpu.dot_dimension_numbers<[1], [0], [0], [1], [0, 0, 1, 1], [], []>, transpose_lhs_hint = false} : vector<64x128xf32>, vector<128x120xf32>, vector<64x120xf32> -> vector<64x120xf32>
    %get3A_12 = arith.constant 0 : index
    %get3A_13 = arith.constant 0 : index
    %get3A_14 = vector.load %arg3[%get3A_12, %get3A_13] : memref<1x120xf32, #tpu.memory_space<vmem>>, vector<1x120xf32>
    %add3A = vector.broadcast %get3A_14 : vector<1x120xf32> to vector<64x120xf32>
    %add3A_15 = arith.addf %dot_general3A_11, %add3A : vector<64x120xf32>
    %max3A = arith.constant 0.000000e+00 : f32
    %max3A_16 = vector.broadcast %max3A : f32 to vector<64x120xf32>
    %max3A_17 = arith.maximumf %add3A_15, %max3A_16 : vector<64x120xf32>
    %get3A_18 = arith.constant 0 : index
    %get3A_19 = arith.constant 0 : index
    %get3A_20 = vector.load %arg4[%get3A_18, %get3A_19] : memref<120x64xf32, #tpu.memory_space<vmem>>, vector<120x64xf32>
    %dot_general3A_21 = arith.constant dense<0.000000e+00> : vector<64x64xf32>
    %dot_general3A_22 = tpu.matmul %max3A_17, %get3A_20, %dot_general3A_21 {dimension_numbers = #tpu.dot_dimension_numbers<[1], [0], [0], [1], [0, 0, 1, 1], [], []>, transpose_lhs_hint = false} : vector<64x120xf32>, vector<120x64xf32>, vector<64x64xf32> -> vector<64x64xf32>
    %get3A_23 = arith.constant 0 : index
    %get3A_24 = arith.constant 0 : index
    %get3A_25 = vector.load %arg5[%get3A_23, %get3A_24] : memref<1x64xf32, #tpu.memory_space<vmem>>, vector<1x64xf32>
    %add3A_26 = vector.broadcast %get3A_25 : vector<1x64xf32> to vector<64x64xf32>
    %add3A_27 = arith.addf %dot_general3A_22, %add3A_26 : vector<64x64xf32>
    %max3A_28 = arith.constant 0.000000e+00 : f32
    %max3A_29 = vector.broadcast %max3A_28 : f32 to vector<64x64xf32>
    %max3A_30 = arith.maximumf %add3A_27, %max3A_29 : vector<64x64xf32>
    %get3A_31 = arith.constant 0 : index
    %get3A_32 = arith.constant 0 : index
    %get3A_33 = vector.load %arg6[%get3A_31, %get3A_32] : memref<64x1xf32, #tpu.memory_space<vmem>>, vector<64x1xf32>
    %dot_general3A_34 = arith.constant dense<0.000000e+00> : vector<64x1xf32>
    %dot_general3A_35 = tpu.matmul %max3A_30, %get3A_33, %dot_general3A_34 {dimension_numbers = #tpu.dot_dimension_numbers<[1], [0], [0], [1], [0, 0, 1, 1], [], []>, transpose_lhs_hint = false} : vector<64x64xf32>, vector<64x1xf32>, vector<64x1xf32> -> vector<64x1xf32>
    %get3A_36 = arith.constant 0 : index
    %get3A_37 = arith.constant 0 : index
    %get3A_38 = vector.load %arg7[%get3A_36, %get3A_37] : memref<1x1xf32, #tpu.memory_space<vmem>>, vector<1x1xf32>
    %add3A_39 = vector.broadcast %get3A_38 : vector<1x1xf32> to vector<64x1xf32>
    %add3A_40 = arith.addf %dot_general3A_35, %add3A_39 : vector<64x1xf32>
    %max3A_41 = arith.constant 0.000000e+00 : f32
    %max3A_42 = vector.broadcast %max3A_41 : f32 to vector<64x1xf32>
    %max3A_43 = arith.maximumf %add3A_40, %max3A_42 : vector<64x1xf32>
    %swap3A = arith.constant 0 : index
    %swap3A_44 = arith.constant 0 : index
    %swap3A_45 = vector.load %arg8[%swap3A, %swap3A_44] : memref<64x1xf32, #tpu.memory_space<vmem>>, vector<64x1xf32>
    tpu.vector_store %arg8[%swap3A, %swap3A_44], %max3A_43 {strides = array<i32>} : memref<64x1xf32, #tpu.memory_space<vmem>>, vector<64x1xf32>,
    return
  }
}

</mosaic_0001>

<sc_bundles>
// kernel: _run.5.cloned.1.call-start
scs
__scs_entry_jumppad:
0x0: {  	(pc) =	sbr.rel $0x88, $3  }
0x1: {  	(tag) =	ssettag $0x0;
	lr =	simm.s32 $0x1  }
0x2: {  	[smem:$0x3F95] =	sst lr;
	_ =	strace $0xD0000000  }
0x3: {  	_ = 	snop  }
0x4: {  	_ = 	snop  }
0x5: {  	_ = 	snop  }
0x6: {  	_ = 	snop  }
0x7: {  	_ = 	snop  }
__scs_overlays_trampoline_lowered:
0x8: {  	[smem:$0x3FA4] =	sst s0  }
0x9: {  	[smem:$0x3FA5] =	sst s1  }
0xa: {  	[smem:$0x3FA6] =	sst s2  }
0xb: {  	[smem:$0x3FA7] =	sst s3  }
0xc: {  	[smem:$0x3FA8] =	sst s4  }
0xd: {  	[smem:$0x3FA9] =	sst s5  }
0xe: {  	[smem:$0x3FAA] =	sst s6  }
0xf: {  	[smem:$0x3FAB] =	sst s7  }
0x10: {  	[smem:$0x3FAC] =	sst s8  }
0x11: {  	[smem:$0x3FAD] =	sst s9;
	s0 =	simm.s32 @!p0 $0x0  }
0x12: {  	s1 =	sld [smem:$0x3F93];
	s0 =	simm.s32 @p0 $0x1  }
0x13: {  	[smem:$0x3FAE] =	sst s0;
	s0 =	simm.s32 @!p1 $0x0  }
0x14: {  	s2 =	sld [smem:$0x3F92];
	s0 =	simm.s32 @p1 $0x1  }
0x15: {  	[smem:$0x3FAF] =	sst s0;
	s0 =	simm.s32 @!p2 $0x0  }
0x16: {  	s3 =	sld [smem:$0x3FDB];
	s0 =	simm.s32 @p2 $0x1  }
0x17: {  	s4 =	simm.s32 $0x1BF5;
	[smem:$0x3FB1] =	sst s0  }
0x18: {  	s0 =	sld [smem:$0x3F94];
	_ =	swait.ge [sflag:s4], $0x0  }
0x19: {  	s7 =	sld [smem:$0x3F95]  }
0x1a: {  	s8 =	sadd.s32 $0xFFFFE003, lr  }
0x1b: {  	s9 =	sadd.s32 $0xFFFFFEF7, lr;
	s5 =	simm.s32 $0xFFFFFFFF;
	p2 =	slt.u32 s8, $0xFFFFF086  }
0x1c: {  	p1 =	slt.u32 s9, $0xF7A;
	s5 =	simm.s32 @!p2 $0x0  }
0x1d: {  	s5 =	simm.s32 @p1 $0x1;
	p0 =	seq.s32 s7, s2  }
0x1e: {  	s7 =	smul.u32 @!p0 $0xF7A, s2;
	p2 =	seq.s32 @!p0 s5, $0x0  }
0x1f: {  	s9 =	smul.u32 $0xF7A, s1;
	s8 =	simm.s32 @!p0 $0x1BF5;
	p2 =	por !p2, p0  }
0x20: {  	[sflag:s8] =	ssyncset.s32 @!p0 $0xFFFFF086;
	s6 =	sadd.s32 @!p0 s3, s7;
	s7 =	simm.s32 @!p0 $0x108  }
0x21: {  	s3 =	sadd.s32 s3, s9;
	s6 =	sadd.s32 @!p0 $0x88, s6;
	s7 =	simm.s32 @p2 $0x1082  }
0x22: {  	[simem:s7], [sflag:s8] =	dma.local @!p0 [hbm:s6], $0xF7A  }
0x23: {  	s9 =	sor.u32 $0xD0000000, s2;
	s6 =	simm.s32 $0x108;
	_ =	swait.ge @!p0 [sflag:s8], $0x0  }
0x24: {  	s3 =	sadd.s32 $0x88, s3;
	s6 =	simm.s32 @!p1 $0x1082;
	[sflag:s4] =	ssyncset.s32 $0xFFFFF086  }
0x25: {  	[simem:s6], [sflag:s4] =	dma.local [hbm:s3], $0xF7A  }
0x26: {  	[smem:$0x3F95] =	sst s1;
	(tag) =	ssettag s2;
	_ =	strace s9  }
0x27: {  	s1 =	sld [smem:$0x3FA5]  }
0x28: {  	s2 =	sld [smem:$0x3FA6]  }
0x29: {  	s4 =	sld [smem:$0x3FA8]  }
0x2a: {  	p0 =	seq.s32 s5, $0x0;
	s5 =	sld [smem:$0x3FA9]  }
0x2b: {  	s6 =	sld [smem:$0x3FAA]  }
0x2c: {  	s7 =	sld [smem:$0x3FAB]  }
0x2d: {  	s3 =	simm.s32 $0x108;
	s8 =	sld [smem:$0x3FAC]  }
0x2e: {  	s3 =	simm.s32 @!p0 $0x1082;
	s9 =	sld [smem:$0x3FAD]  }
0x2f: {  	lr =	sadd.s32 s0, s3;
	s0 =	sld [smem:$0x3FA4]  }
0x30: {  	s3 =	sld [smem:$0x3FA7]  }
0x31: {  	[smem:$0x3FB0] =	sst s10  }
0x32: {  	s10 =	sld [smem:$0x3FAE];
	_ =	sdelay $0x3  }
0x33: {  	p0 =	seq.s32 s10, $0x1;
	s10 =	sld [smem:$0x3FB0];
	_ =	sdelay $0x3  }
0x34: {  	[smem:$0x3FB0] =	sst s10  }
0x35: {  	s10 =	sld [smem:$0x3FAF];
	_ =	sdelay $0x3  }
0x36: {  	p1 =	seq.s32 s10, $0x1;
	s10 =	sld [smem:$0x3FB0];
	_ =	sdelay $0x3  }
0x37: {  	[smem:$0x3FB0] =	sst s10  }
0x38: {  	s10 =	sld [smem:$0x3FB1]  }
0x39: {  	_ = 	snop;
	(pc) =	sbr.ind lr, $3  }
0x3a: {  	_ = 	snop  }
0x3b: {  	_ = 	snop  }
0x3c: {  	p2 =	seq.s32 s10, $0x1;
	s10 =	sld [smem:$0x3FB0]  }
0x3d: {  	_ =	shalt  }
0x3e: {  	_ =	shalt  }
0x3f: {  	_ =	shalt  }
0x40: {  	_ =	shalt  }
0x41: {  	_ =	shalt  }
0x42: {  	_ =	shalt  }
0x43: {  	_ =	shalt  }
0x44: {  	_ =	shalt  }
0x45: {  	_ =	shalt  }
0x46: {  	_ =	shalt  }
0x47: {  	_ =	shalt  }
0x48: {  	_ =	shalt  }
0x49: {  	_ =	shalt  }
0x4a: {  	_ =	shalt  }
0x4b: {  	_ =	shalt  }
0x4c: {  	_ =	shalt  }
0x4d: {  	_ =	shalt  }
0x4e: {  	_ =	shalt  }
0x4f: {  	_ =	shalt  }
0x50: {  	_ =	shalt  }
0x51: {  	_ =	shalt  }
0x52: {  	_ =	shalt  }
0x53: {  	_ =	shalt  }
0x54: {  	_ =	shalt  }
0x55: {  	_ =	shalt  }
0x56: {  	_ =	shalt  }
0x57: {  	_ =	shalt  }
0x58: {  	_ =	shalt  }
0x59: {  	_ =	shalt  }
0x5a: {  	_ =	shalt  }
0x5b: {  	_ =	shalt  }
0x5c: {  	_ =	shalt  }
0x5d: {  	_ =	shalt  }
0x5e: {  	_ =	shalt  }
0x5f: {  	_ =	shalt  }
0x60: {  	_ =	shalt  }
0x61: {  	_ =	shalt  }
0x62: {  	_ =	shalt  }
0x63: {  	_ =	shalt  }
0x64: {  	_ =	shalt  }
0x65: {  	_ =	shalt  }
0x66: {  	_ =	shalt  }
0x67: {  	_ =	shalt  }
0x68: {  	_ =	shalt  }
0x69: {  	_ =	shalt  }
0x6a: {  	_ =	shalt  }
0x6b: {  	_ =	shalt  }
0x6c: {  	_ =	shalt  }
0x6d: {  	_ =	shalt  }
0x6e: {  	_ =	shalt  }
0x6f: {  	_ =	shalt  }
0x70: {  	_ =	shalt  }
0x71: {  	_ =	shalt  }
0x72: {  	_ =	shalt  }
0x73: {  	_ =	shalt  }
0x74: {  	_ =	shalt  }
0x75: {  	_ =	shalt  }
0x76: {  	_ =	shalt  }
0x77: {  	_ =	shalt  }
0x78: {  	_ =	shalt  }
0x79: {  	_ =	shalt  }
0x7a: {  	_ =	shalt  }
0x7b: {  	_ =	shalt  }
0x7c: {  	_ =	shalt  }
0x7d: {  	_ =	shalt  }
0x7e: {  	_ =	shalt  }
0x7f: {  	_ =	shalt  }
0x80: {  	_ =	shalt  }
0x81: {  	_ =	shalt  }
0x82: {  	_ =	shalt  }
0x83: {  	_ =	shalt  }
0x84: {  	_ =	shalt  }
0x85: {  	_ =	shalt  }
0x86: {  	_ =	shalt  }
0x87: {  	_ =	shalt  }
.Lfunc_end0:
.L_simem_size_0:
called_computation_lowered:
.L_overlay_start_0:
0x88: {  	s2 =	sld [smem:$0x3FD9]  }
0x89: {  	s3 =	sld [smem:$0x3FFE];
	_ =	sdelay $0x1  }
0x8a: {  	s1 =	srdreg.scid  }
0x8b: {  	s0 =	sand.u32 $0x1, s1  }
0x8c: {  	s16 =	sshll.u32 s0, $0xA;
	s2 =	sadd.s32 s3, s2  }
0x8d: {  	s2 =	sadd.s32 s2, s16  }
0x8e: {  	[smem:$0x3FBC] =	sst s2  }
0x8f: {  	_ = 	snop  }
0x90: {  	(tm) =	ssettm $0x1  }
0x91: {  	s17 =	sld [smem:$0x3FFB];
	_ =	sdelay $0x3  }
0x92: {  	_ =	strace s17  }
0x93: {  	s2 =	sld [smem:$0x3FFC];
	_ =	sdelay $0x3  }
0x94: {  	_ =	strace s2  }
0x95: {  	s2 =	sld [smem:$0x3FFD];
	_ =	sdelay $0x3  }
0x96: {  	_ =	strace s2  }
0x97: {  	_ =	strace $0x8FFFFFFF  }
0x98: {  	s18 =	sld [smem:$0x3FDB];
	_ =	sdelay $0x1  }
0x99: {  	s19 =	simm.s32 $_scs_section_size  }
0x9a: {  	s4 =	simm.s32 $_size__tile_overlayer_lowered;
	s5 =	simm.s32 $_tile_overlayer_lowered  }
0x9b: {  	s22 =	simm.s32 $0x1BFF;
	s21 =	sshll.u32 s5, $0x1;
	s2 =	sadd.s32 s19, s18  }
0x9c: {  	s6 =	simm.s32 $0x0;
	s20 =	sshll.u32 s4, $0x1;
	s4 =	sadd.s32 s21, s2  }
0x9d: {  	[timem:s6], [sflag:s22] =	dma.local [hbm:s4], s20  }
0x9e: {  	_ =	swait.ge [sflag:s22], s20  }
0x9f: {  	s3 =	ssub.s32 $0x0, s20;
	[sflag:s22] =	ssyncset.done $0x0  }
0xa0: {  	[sflag:s22] =	ssyncadd.s32 s3;
	_ =	sdelay $0x1  }
0xa1: {  	s23 =	simm.s32 $0x1B8B  }
0xa2: {  	_ =	swait.ge [sflag:s23], $0x1  }
0xa3: {  	[sflag:s23] =	ssyncset.done $0x0  }
0xa4: {  	s25 =	simm.s32 $0x1B8E;
	s24 =	sld [smem:$0x3FFE];
	[sflag:s23] =	ssyncadd.s32 $0xFFFFFFFF  }
0xa5: {  	s26 =	simm.s32 $execute0_lowered;
	[smem:$0x3FD2] =	sst s25  }
0xa6: {  	s4 =	sshll.u32 s26, $0x1;
	_ =	strace $0x80000046;
	[dreg:$0x1] =	wrdreg $0xFFFFFFFF  }
0xa7: {  	s28 =	simm.s32 $_size_execute0_lowered;
	s2 =	sadd.s32 s2, s4;
	[dreg:$0x0] =	wrdreg $0x0  }
0xa8: {  	s4 =	sshll.u32 s28, $0x1;
	[dreg:$0x2] =	wrdreg s2  }
0xa9: {  	[dreg:$0x3] =	wrdreg s4  }
0xaa: {  	[dreg:$0x4] =	wrdreg $0xC0  }
0xab: {  	_ =	task [dreg:s6], $0x5FFFF  }
0xac: {  	[dreg:$0x1] =	wrdreg $0xFFFFFFFF  }
0xad: {  	[dreg:$0x0] =	wrdreg $0x60  }
0xae: {  	[dreg:$0x2] =	wrdreg s24  }
0xaf: {  	[dreg:$0x3] =	wrdreg $0x9  }
0xb0: {  	_ =	task.clear_ibuf [dreg:s6], $0x4FFFF;
	_ =	strace $0x90000046  }
0xb1: {  	s29 =	simm.s32 $0x9;
	_ =	strace $0x80000048  }
0xb2: {  	_ =	swait.ge [sflag:s29], $0x1  }
0xb3: {  	[sflag:s29] =	ssyncadd.s32 $0xFFFFFFFF  }
0xb4: {  	_ =	strace $0x90000048  }
0xb5: {  	_ =	sfence  }
0xb6: {  	s30 =	sld [smem:$0x0];
	_ =	sdelay $0x2  }
0xb7: {  	s31 =	sshll.u32 s1, $0xD;
	s1 =	sshrl.u32 s1, $0x2  }
0xb8: {  	s3 =	sand.u32 $0x4000, s31;
	s1 =	sadd.s32 s1, s30  }
0xb9: {  	s0 =	sor.u32 s3, s0;
	s1 =	sshll.u32 s1, $0x11  }
0xba: {  	s0 =	sor.u32 s1, s0  }
0xbb: {  	s0 =	sadd.s32 $0x8F2B, s0  }
0xbc: {  	[sflag:s0] =	ssyncadd.remote.s32 $0x1  }
0xbd: {  	_ =	sfence.sel $0xFFFF  }
0xbe: {  	[dreg:$0x0] =	wrdreg $0xFFFFFFFF;
	(pc) =	sbr.abs _section_cstart, $3  }
0xbf: {  	[dreg:$0x1] =	wrdreg $0xFFFFFFFF  }
0xc0: {  	_ =	task.clear_ibuf [dreg:s6], $0x2FFFF;
	_ =	strace $0x9FFFFFFF  }
0xc1: {  	(tm) =	ssettm $0x7FFFFFFF  }
tec
execute0_lowered:
.L_overlay_start_1:
0x0: {  	(tag) =	ssettag $0x1  }
0x1: {  	s1 =	srdreg.scid  }
0x2: {  	s3 =	rddreg [dreg:$0x0];
	s2 =	simm.s32 $0x0;
	s4 =	sand.u32 $0x1, s1  }
0x3: {  	s1 =	stileid.u32;
	[smem:$0x7FF] =	sst s2;
	s5 =	sshll.u32 s4, $0x4  }
0x4: {  	s0 =	rddreg [dreg:$0x1];
	_ =	strace $0x80000047;
	s5 =	sor.u32 s1, s5  }
0x5: {  	s7 =	sshll.u32 s1, $0x4;
	s4 =	ssub.s32 $0x2, s4;
	s6 =	smul.u32 $0x188, s5  }
.Ltmp0:
0x6: {  	s7 =	sand.u32 $0x70, s7;
	s8 =	sshrl.u32 s4, $0x1;
	(pc) =	sbr.rel .LBB2_1-.Ltmp0, $4  }
0x7: {  	s5 =	sshll.u32 s5, $0x4;
	s7 =	sadd.s32 s7, s3;
	s30 =	ssub.s32 s4, s8  }
0x8: {  	s8 =	simm.s32 $0x0;
	s5 =	sand.u32 $0x180, s5;
	s3 =	sadd.s32 s6, s3  }
0x9: {  	v0 =	vlaneseq.u32;
	s31 =	sadd.s32 s5, s7;
	s5 =	smax.u32 s30, $0x1;
	s6 =	simm.s32 $0x1  }
0xa: {  	v1 =	vor.u32 $0x10, v0;
	v2 =	vor.u32 $0x20, v0;
	v3 =	vor.u32 $0x30, v0;
	s7 =	simm.s32 $0xC80;
	s3 =	sadd.s32 $0xC00, s3;
	s4 =	sadd.s32 $0x3E00, s31  }
.LBB2_8:
0xb: {  	[tilespmem:$0xC80] =	vst v6  }
0xc: {  	[tilespmem:$0xC90] =	vst v7;
	s8 =	sadd.s32 $0x1, s8  }
0xd: {  	[tilespmem:$0xCA0] =	vst v5;
	p0 =	sne.s32 s8, s5  }
.Ltmp1:
0xe: {  	[tilespmem:$0xCB0] =	vst v4;
	(pc) =	sbr.rel @!p0 .LBB2_9-.Ltmp1, $4  }
0xf: {  	[hbm4b:s4+s2] =	stream.linear.scatter [tilespmem:s7], [sflag:$0x1], $0x80, $0x38;
	[tilespmem:$0xD00] =	vst v63  }
0x10: {  	_ =	swait.ge [sflag:s6], $0x80  }
0x11: {  	[sflag:s6] =	ssyncset.done $0x0  }
0x12: {  	[sflag:s6] =	ssyncadd.s32 $0xFFFFFF80  }
.LBB2_1:
0x13: {  	[tilespmem:s2], [sflag:$0x1] =	stream.linear.gather [hbm4b:s3+s2], $0xC40, $0x38;
	[tilespmem:$0xD00] =	vst v63  }
0x14: {  	s9 =	simm.s32 $0xC4  }
0x15: {  	s9 =	sand.u32 $0x1, s9  }
0x16: {  	p0 =	por $0x0, $0x0;
	p1 =	seq.s32 s9, $0x1  }
0x17: {  	p0 =	por !p0, !p1  }
0x18: {  	s9 =	simm.s32 $0x1;
	p0 =	por !p0, !p0  }
0x19: {  	s9 =	simm.s32 @!p0 $0x0  }
0x1a: {  	s11 =	ssub.s32 $0x62, s9  }
0x1b: {  	_ =	swait.ge [sflag:s6], $0xC40;
	p0 =	slt.s32 s11, $0xC3  }
0x1c: {  	[sflag:s6] =	ssyncset.done $0x0;
	s11 =	simm.s32 @!p0 $0xC3  }
0x1d: {  	[sflag:s6] =	ssyncadd.s32 $0xFFFFF3C0;
	s31 =	sshll.u32 s11, $0x6  }
0x1e: {  	v4 =	vld [tilespmem:$0x0];
	s9 =	sshra.s32 s31, $0x2  }
0x1f: {  	v5 =	vld [tilespmem:s9+$0x0];
	_ =	sdelay $0x3  }
0x20: {  	(v2sf) =	vpush v4, $0x0  }
0x21: {  	(v2sf) =	vpush v5, $0x0;
	_ =	sdelay $0xd  }
0x22: {  	s9 =	spop (v2sf)  }
0x23: {  	s10 =	simm.s32 $0xC4;
	s13 =	simm.s32 $0x0;
	s12 =	spop (v2sf)  }
0x24: {  	s14 =	sadd.s32 $0x1, s11;
	p0 =	sge.s32 s12, s9;
	p1 =	slt.s32 s12, s9  }
0x25: {  	s12 =	simm.s32 $0x7;
	s13 =	smov.u32 @p1 s14;
	s14 =	simm.s32 $0xC4  }
0x26: {  	v4 =	vld [tilespmem:$0xC30];
	p1 =	por $0x1, $0x1;
	s14 =	smov.u32 @p0 s11;
	s11 =	simm.s32 $0x0  }
.LBB2_2:
0x27: {  	p0 =	sne.s32 s12, $0x1;
	s11 =	smov.u32 @p1 s13;
	s10 =	smov.u32 @p1 s14  }
0x28: {  	s12 =	sadd.s32 $0xFFFFFFFF, s12;
	s13 =	sadd.s32 s11, s10  }
0x29: {  	s14 =	sshrl.u32 s13, $0x1F;
	s15 =	sand.u32 $0x1, s13  }
0x2a: {  	p1 =	slt.s32 s13, $0x1;
	s14 =	sadd.s32 s14, s13;
	p2 =	seq.s32 s15, $0x1  }
0x2b: {  	p1 =	por !p1, !p2  }
0x2c: {  	s13 =	sshra.s32 s14, $0x1;
	s14 =	simm.s32 $0x1;
	p1 =	por !p1, !p1  }
0x2d: {  	s14 =	simm.s32 @!p1 $0x0  }
0x2e: {  	s15 =	ssub.s32 s13, s14  }
0x2f: {  	p1 =	slt.s32 s15, $0xC3  }
0x30: {  	s15 =	simm.s32 @!p1 $0xC3  }
0x31: {  	s13 =	sshll.u32 s15, $0x6  }
0x32: {  	s13 =	sshra.s32 s13, $0x2  }
0x33: {  	v5 =	vld [tilespmem:s13+$0x0];
	_ =	sdelay $0x4  }
0x34: {  	(v2sf) =	vpush v5, $0x0;
	_ =	sdelay $0xd  }
.Ltmp2:
0x35: {  	(pc) =	sbr.rel @p0 .LBB2_2-.Ltmp2, $4  }
0x36: {  	s14 =	sadd.s32 $0x1, s15;
	s13 =	spop (v2sf)  }
0x37: {  	p2 =	sge.s32 s13, s9;
	p3 =	slt.s32 s13, s9;
	s13 =	smov.u32 s11  }
0x38: {  	s13 =	smov.u32 @p3 s14;
	s14 =	smov.u32 s10  }
0x39: {  	p1 =	slt.s32 s11, s10;
	s14 =	smov.u32 @p2 s15  }
0x3a: {  	(v2sf) =	vpush v4, $0xF;
	_ =	sdelay $0xe  }
0x3b: {  	s10 =	spop (v2sf)  }
0x3c: {  	s12 =	sadd.s32 $0x1, s10  }
0x3d: {  	p0 =	sge.s32 s9, s12  }
.Ltmp3:
0x3e: {  	_ = 	snop;
	(pc) =	sbr.rel @p0 .LBB2_8-.Ltmp3, $3  }
0x3f: {  	_ =	sdelay $0x1  }
0x40: {  	v6 =	vimm.s32 $0x0  }
0x41: {  	s11 =	smov.u32 @p1 s13;
	v7 =	vimm.s32 $0x0;
	v5 =	vimm.s32 $0x0;
	v4 =	vimm.s32 $0x0  }
0x42: {  	s12 =	sadd.s32 $0xFFFFFFFF, s11  }
0x43: {  	p0 =	sgt.s32 s12, $0x0  }
0x44: {  	s13 =	sshll.u32 s12, $0x4;
	s12 =	simm.s32 @!p0 $0x0  }
0x45: {  	s12 =	sshll.u32 s12, $0x4  }
0x46: {  	s12 =	sand.u32 $0x3FFFFFF0, s12  }
0x47: {  	v4 =	vld [tilespmem:s12+$0x0];
	_ =	sdelay $0x4  }
0x48: {  	(v2sf) =	vpush v4, $0x1  }
0x49: {  	(v2sf) =	vpush v4, $0x0;
	_ =	sdelay $0x1  }
0x4a: {  	(v2sf) =	vpush v4, $0x2  }
0x4b: {  	(v2sf) =	vpush v4, $0x3;
	_ =	sdelay $0x1  }
0x4c: {  	(v2sf) =	vpush v4, $0x4;
	_ =	sdelay $0x1  }
0x4d: {  	(v2sf) =	vpush v4, $0x5  }
0x4e: {  	(v2sf) =	vpush v4, $0x6;
	_ =	sdelay $0x1  }
0x4f: {  	(v2sf) =	vpush v4, $0x7;
	_ =	sdelay $0x3  }
0x50: {  	s16 =	spop (v2sf);
	(v2sf) =	vpush v4, $0x8  }
0x51: {  	s14 =	spop (v2sf);
	(v2sf) =	vpush v4, $0x9  }
0x52: {  	s12 =	simm.s32 $0x1;
	p0 =	slt.s32 s16, s9  }
0x53: {  	s12 =	simm.s32 @!p0 $0x0;
	s17 =	spop (v2sf);
	(v2sf) =	vpush v4, $0xA  }
0x54: {  	p0 =	slt.s32 s14, s9;
	s14 =	simm.s32 $0x1;
	s18 =	spop (v2sf);
	(v2sf) =	vpush v4, $0xB  }
0x55: {  	s12 =	sor.u32 s12, s13;
	s14 =	simm.s32 @!p0 $0x0;
	p0 =	slt.s32 s17, s9  }
0x56: {  	s13 =	simm.s32 $0x1;
	s12 =	sadd.s32 s14, s12;
	s19 =	spop (v2sf);
	(v2sf) =	vpush v4, $0xC  }
0x57: {  	s13 =	simm.s32 @!p0 $0x0;
	p0 =	slt.s32 s18, s9;
	s14 =	simm.s32 $0x1  }
0x58: {  	s12 =	sadd.s32 s13, s12;
	s14 =	simm.s32 @!p0 $0x0;
	s20 =	spop (v2sf);
	(v2sf) =	vpush v4, $0xD  }
0x59: {  	p0 =	slt.s32 s19, s9;
	s13 =	simm.s32 $0x1;
	s21 =	spop (v2sf);
	(v2sf) =	vpush v4, $0xE  }
0x5a: {  	s12 =	sadd.s32 s14, s12;
	s13 =	simm.s32 @!p0 $0x0;
	p0 =	slt.s32 s20, s9  }
0x5b: {  	s14 =	simm.s32 $0x1;
	s12 =	sadd.s32 s13, s12;
	s22 =	spop (v2sf);
	(v2sf) =	vpush v4, $0xF  }
0x5c: {  	s14 =	simm.s32 @!p0 $0x0;
	p0 =	slt.s32 s21, s9;
	s13 =	simm.s32 $0x1  }
0x5d: {  	s12 =	sadd.s32 s14, s12;
	s13 =	simm.s32 @!p0 $0x0  }
0x5e: {  	p0 =	slt.s32 s22, s9;
	s14 =	simm.s32 $0x1;
	s12 =	sadd.s32 s13, s12  }
0x5f: {  	s14 =	simm.s32 @!p0 $0x0;
	s13 =	simm.s32 $0x1;
	s23 =	spop (v2sf)  }
0x60: {  	s12 =	sadd.s32 s14, s12;
	s24 =	spop (v2sf);
	p0 =	slt.s32 s23, s9  }
0x61: {  	s14 =	simm.s32 $0x1;
	s13 =	simm.s32 @!p0 $0x0;
	p0 =	slt.s32 s24, s9  }
0x62: {  	s25 =	spop (v2sf);
	s12 =	sadd.s32 s13, s12;
	s14 =	simm.s32 @!p0 $0x0  }
0x63: {  	s26 =	spop (v2sf);
	p0 =	slt.s32 s25, s9;
	s13 =	simm.s32 $0x1  }
0x64: {  	s12 =	sadd.s32 s14, s12;
	s13 =	simm.s32 @!p0 $0x0;
	p0 =	slt.s32 s26, s9  }
0x65: {  	s14 =	simm.s32 $0x1;
	s28 =	spop (v2sf);
	s12 =	sadd.s32 s13, s12  }
0x66: {  	s14 =	simm.s32 @!p0 $0x0;
	p0 =	slt.s32 s28, s9;
	s13 =	simm.s32 $0x1  }
0x67: {  	s29 =	spop (v2sf);
	s12 =	sadd.s32 s14, s12;
	s13 =	simm.s32 @!p0 $0x0  }
0x68: {  	p0 =	slt.s32 s29, s9;
	s14 =	simm.s32 $0x1;
	s30 =	spop (v2sf)  }
0x69: {  	s12 =	sadd.s32 s13, s12;
	s14 =	simm.s32 @!p0 $0x0;
	p0 =	slt.s32 s30, s9  }
0x6a: {  	s13 =	simm.s32 $0x1;
	s31 =	spop (v2sf);
	s12 =	sadd.s32 s14, s12  }
0x6b: {  	s13 =	simm.s32 @!p0 $0x0;
	p0 =	slt.s32 s31, s9;
	s14 =	simm.s32 $0x1  }
0x6c: {  	s12 =	sadd.s32 s13, s12;
	s14 =	simm.s32 @!p0 $0x0  }
0x6d: {  	v5 =	vimm.s32 $0x0;
	p0 =	seq.s32 s11, $0x0;
	s11 =	sadd.s32 s14, s12  }
0x6e: {  	v7 =	vimm.s32 $0x0;
	v6 =	vimm.s32 $0x0;
	v4 =	vimm.s32 $0x0;
	s11 =	simm.s32 @p0 $0x0  }
.LBB2_5:
0x6f: {  	s12 =	simm.s32 $0xC4  }
0x70: {  	s12 =	sand.u32 $0x1, s12  }
0x71: {  	p0 =	por $0x0, $0x0;
	p1 =	seq.s32 s12, $0x1  }
0x72: {  	p0 =	por !p0, !p1  }
0x73: {  	s12 =	simm.s32 $0x1;
	p0 =	por !p0, !p0  }
0x74: {  	s12 =	simm.s32 @!p0 $0x0  }
0x75: {  	s17 =	ssub.s32 $0x62, s12  }
0x76: {  	p0 =	slt.s32 s17, $0xC3  }
0x77: {  	s17 =	simm.s32 @!p0 $0xC3  }
0x78: {  	s31 =	sshll.u32 s17, $0x6  }
0x79: {  	s12 =	sshra.s32 s31, $0x2  }
0x7a: {  	v8 =	vld [tilespmem:s12+$0x0];
	_ =	sdelay $0x4  }
0x7b: {  	(v2sf) =	vpush v8, $0x0;
	_ =	sdelay $0xe  }
0x7c: {  	s13 =	simm.s32 $0xC4;
	s15 =	simm.s32 $0x0;
	s14 =	spop (v2sf)  }
0x7d: {  	p1 =	por $0x1, $0x1;
	s16 =	sadd.s32 $0x1, s17;
	p0 =	sle.s32 s14, s9  }
0x7e: {  	p2 =	sgt.s32 s14, s9;
	s15 =	smov.u32 @p0 s16;
	s16 =	simm.s32 $0xC4  }
0x7f: {  	s12 =	simm.s32 $0x0;
	s14 =	simm.s32 $0x7;
	s16 =	smov.u32 @p2 s17  }
.LBB2_6:
0x80: {  	p0 =	sne.s32 s14, $0x1;
	s12 =	smov.u32 @p1 s15;
	s13 =	smov.u32 @p1 s16  }
0x81: {  	s14 =	sadd.s32 $0xFFFFFFFF, s14;
	s15 =	sadd.s32 s12, s13  }
0x82: {  	s16 =	sshrl.u32 s15, $0x1F;
	s17 =	sand.u32 $0x1, s15  }
0x83: {  	p1 =	slt.s32 s15, $0x1;
	s16 =	sadd.s32 s16, s15;
	p2 =	seq.s32 s17, $0x1  }
0x84: {  	p1 =	por !p1, !p2  }
0x85: {  	s15 =	sshra.s32 s16, $0x1;
	s16 =	simm.s32 $0x1;
	p1 =	por !p1, !p1  }
0x86: {  	s16 =	simm.s32 @!p1 $0x0  }
0x87: {  	s17 =	ssub.s32 s15, s16  }
0x88: {  	p1 =	slt.s32 s17, $0xC3  }
0x89: {  	s17 =	simm.s32 @!p1 $0xC3  }
0x8a: {  	s15 =	sshll.u32 s17, $0x6  }
0x8b: {  	s15 =	sshra.s32 s15, $0x2  }
0x8c: {  	v8 =	vld [tilespmem:s15+$0x0];
	_ =	sdelay $0x4  }
0x8d: {  	(v2sf) =	vpush v8, $0x0;
	_ =	sdelay $0xd  }
.Ltmp4:
0x8e: {  	(pc) =	sbr.rel @p0 .LBB2_6-.Ltmp4, $4  }
0x8f: {  	s16 =	sadd.s32 $0x1, s17;
	s15 =	spop (v2sf)  }
0x90: {  	p2 =	sgt.s32 s15, s9;
	p3 =	sle.s32 s15, s9;
	s15 =	smov.u32 s12  }
0x91: {  	s15 =	smov.u32 @p3 s16;
	s16 =	smov.u32 s13  }
0x92: {  	p1 =	slt.s32 s12, s13;
	s16 =	smov.u32 @p2 s17  }
0x93: {  	s12 =	smov.u32 @p1 s15  }
0x94: {  	s13 =	sadd.s32 $0xFFFFFFFF, s12  }
0x95: {  	p0 =	sgt.s32 s13, $0x0;
	s14 =	smov.u32 s13  }
0x96: {  	s14 =	simm.s32 @!p0 $0x0  }
0x97: {  	s14 =	sshll.u32 s14, $0x4  }
0x98: {  	s14 =	sand.u32 $0x3FFFFFF0, s14  }
0x99: {  	v8 =	vld [tilespmem:s14+$0x0];
	_ =	sdelay $0x4  }
0x9a: {  	(v2sf) =	vpush v8, $0x0  }
0x9b: {  	(v2sf) =	vpush v8, $0x1;
	_ =	sdelay $0x1  }
0x9c: {  	(v2sf) =	vpush v8, $0x2  }
0x9d: {  	(v2sf) =	vpush v8, $0x3;
	_ =	sdelay $0x1  }
0x9e: {  	(v2sf) =	vpush v8, $0x4;
	_ =	sdelay $0x1  }
0x9f: {  	(v2sf) =	vpush v8, $0x5;
	_ =	sdelay $0x1  }
0xa0: {  	(v2sf) =	vpush v8, $0x6;
	_ =	sdelay $0x1  }
0xa1: {  	(v2sf) =	vpush v8, $0x7;
	_ =	sdelay $0x1  }
0xa2: {  	(v2sf) =	vpush v8, $0x8  }
0xa3: {  	s22 =	spop (v2sf)  }
0xa4: {  	s14 =	simm.s32 $0x1;
	(v2sf) =	vpush v8, $0x9;
	p0 =	sle.s32 s22, s9;
	s23 =	spop (v2sf)  }
0xa5: {  	s15 =	simm.s32 $0x1;
	s14 =	simm.s32 @!p0 $0x0;
	p0 =	sle.s32 s23, s9  }
0xa6: {  	(v2sf) =	vpush v8, $0xA;
	s16 =	spop (v2sf);
	s15 =	simm.s32 @!p0 $0x0  }
0xa7: {  	(v2sf) =	vpush v8, $0xB;
	p0 =	sle.s32 s16, s9;
	s16 =	simm.s32 $0x1;
	s17 =	spop (v2sf)  }
0xa8: {  	s13 =	sshll.u32 s13, $0x4;
	s16 =	simm.s32 @!p0 $0x0;
	p0 =	sle.s32 s17, s9  }
0xa9: {  	(v2sf) =	vpush v8, $0xC;
	s17 =	simm.s32 $0x1;
	s18 =	spop (v2sf);
	s13 =	sor.u32 s15, s13  }
0xaa: {  	(v2sf) =	vpush v8, $0xD;
	s15 =	simm.s32 $0x1;
	s17 =	simm.s32 @!p0 $0x0;
	p0 =	sle.s32 s18, s9  }
0xab: {  	s18 =	simm.s32 $0x1;
	s19 =	spop (v2sf);
	s13 =	sadd.s32 s14, s13  }
0xac: {  	(v2sf) =	vpush v8, $0xE;
	s14 =	simm.s32 $0x1;
	s18 =	simm.s32 @!p0 $0x0;
	p0 =	sle.s32 s19, s9  }
0xad: {  	(v2sf) =	vpush v8, $0xF;
	s19 =	simm.s32 $0x1;
	s20 =	spop (v2sf);
	s13 =	sadd.s32 s16, s13  }
0xae: {  	s16 =	simm.s32 $0x1;
	s19 =	simm.s32 @!p0 $0x0;
	p0 =	sle.s32 s20, s9  }
0xaf: {  	s20 =	simm.s32 $0x1;
	s21 =	spop (v2sf);
	s13 =	sadd.s32 s17, s13  }
0xb0: {  	s17 =	simm.s32 $0x1;
	s20 =	simm.s32 @!p0 $0x0;
	p0 =	sle.s32 s21, s9  }
0xb1: {  	s21 =	simm.s32 $0x1;
	s22 =	spop (v2sf);
	s13 =	sadd.s32 s18, s13  }
0xb2: {  	s18 =	simm.s32 $0x1;
	s21 =	simm.s32 @!p0 $0x0;
	p0 =	sle.s32 s22, s9  }
0xb3: {  	s22 =	simm.s32 $0x1;
	s23 =	spop (v2sf);
	s13 =	sadd.s32 s19, s13  }
0xb4: {  	s22 =	simm.s32 @!p0 $0x0;
	p0 =	sle.s32 s23, s9;
	s13 =	sadd.s32 s20, s13  }
0xb5: {  	s15 =	simm.s32 @!p0 $0x0;
	s13 =	sadd.s32 s21, s13;
	s24 =	spop (v2sf)  }
0xb6: {  	s13 =	sadd.s32 s22, s13;
	p0 =	sle.s32 s24, s9;
	s25 =	spop (v2sf)  }
0xb7: {  	s13 =	sadd.s32 s15, s13;
	s14 =	simm.s32 @!p0 $0x0;
	p0 =	sle.s32 s25, s9  }
0xb8: {  	s15 =	simm.s32 $0x1;
	s26 =	spop (v2sf);
	s16 =	simm.s32 @!p0 $0x0  }
0xb9: {  	p0 =	sle.s32 s26, s9;
	s28 =	spop (v2sf);
	s13 =	sadd.s32 s14, s13  }
0xba: {  	s14 =	simm.s32 $0x1;
	s17 =	simm.s32 @!p0 $0x0;
	p0 =	sle.s32 s28, s9  }
0xbb: {  	s29 =	spop (v2sf);
	s13 =	sadd.s32 s16, s13;
	s18 =	simm.s32 @!p0 $0x0  }
0xbc: {  	p0 =	sle.s32 s29, s9;
	s30 =	spop (v2sf);
	s13 =	sadd.s32 s17, s13  }
0xbd: {  	s14 =	simm.s32 @!p0 $0x0;
	p0 =	sle.s32 s30, s9;
	s13 =	sadd.s32 s18, s13  }
0xbe: {  	s15 =	simm.s32 @!p0 $0x0;
	s13 =	sadd.s32 s14, s13  }
0xbf: {  	p0 =	seq.s32 s12, $0x0;
	s12 =	sadd.s32 s15, s13  }
0xc0: {  	v8 =	vmov s9;
	s12 =	simm.s32 @p0 $0x0;
	p0 =	sne.s32 s9, s10  }
.Ltmp5:
0xc1: {  	vm0 =	veq.s32 v8, v0;
	s11 =	ssub.s32 s12, s11;
	(pc) =	sbr.rel @p0 .LBB2_5-.Ltmp5, $4  }
.Ltmp6:
0xc2: {  	vm14 =	veq.s32 v8, v1;
	vm15 =	veq.s32 v8, v2;
	v9 =	vmov s11;
	(pc) =	sbr.rel @!p0 .LBB2_8-.Ltmp6, $4  }
0xc3: {  	vm1 =	veq.s32 v8, v3;
	v10 =	vnsel vm0, $0x0, v9;
	v11 =	vnsel vm14, $0x0, v9  }
0xc4: {  	s31 =	sadd.s32 $0x1, s9;
	v8 =	vnsel vm15, $0x0, v9;
	v9 =	vnsel vm1, $0x0, v9;
	v6 =	vadd.s32 v6, v10  }
0xc5: {  	s9 =	smov.u32 s31;
	s11 =	smov.u32 s12;
	v7 =	vadd.s32 v7, v11;
	v5 =	vadd.s32 v5, v8;
	v4 =	vadd.s32 v4, v9  }
0xc6: {  	_ = 	snop  }
.LBB2_9:
0xc7: {  	_ =	sfence.sel $0x180000  }
0xc8: {  	[bflag:$0x0] =	sbarrier.arrive $0xFFFF  }
0xc9: {  	p0 =	sne.s32 s1, $0x0;
	_ =	strace $0x90000047  }
0xca: {  	s0 =	sadd.s32 @!p0 $0x100000, s0;
	[bflag:$0x2] =	sbarrier.arrive $0xFFFF  }
0xcb: {  	[sflag:s0] =	ssyncadd.tile.s32 @!p0 $0x1;
	_ =	shalt  }
.Lfunc_end2:
_tile_overlayer_lowered:
.L_overlay_start_2:
0xcc: {  	(tag) =	ssettag $0x2  }
0xcd: {  	s0 =	rddreg [dreg:$0x0];
	s2 =	stileid.u32  }
0xce: {  	s1 =	rddreg [dreg:$0x1];
	p0 =	sne.s32 s2, $0x0  }
0xcf: {  	s3 =	rddreg [dreg:$0x2];
	[bflag:$0x3] =	sbarrier.arrive $0xFFFF;
	s2 =	simm.s32 @!p0 $0x1C01  }
0xd0: {  	[timem:s3], [sflag:s2] =	dma.local @!p0 [hbm:s0], s1  }
0xd1: {  	s0 =	simm.s32 @!p0 $0x1  }
0xd2: {  	_ =	swait.ge @!p0 [sflag:s0], s1  }
0xd3: {  	s1 =	ssub.s32 @!p0 $0x0, s1;
	[sflag:s0] =	ssyncset.done @!p0 $0x0  }
0xd4: {  	[sflag:s0] =	ssyncadd.s32 @!p0 s1  }
0xd5: {  	[bflag:$0x3] =	sbarrier.arrive $0xFFFF  }
0xd6: {  	_ =	shalt  }

</sc_bundles>
